<compile_context>
chip_gen: v7x
topology: tpu7x:2x2x1
jax: 0.10.2.dev20260603
libtpu: 0.0.44.dev20260713+nightly
codegen_flags: <defaults>
</compile_context>

<pallas_src>
import functools

import jax
import jax.numpy as jnp
from jax import lax
from jax.experimental import pallas as pl
from jax.experimental.pallas import tpu as pltpu
from jax.experimental.pallas import tpu_sc as plsc

N_TABLES = 26
VOCAB = 100000
DIM = 32
BATCH = 16384
OUT_DIM = 5

TOT_ROWS = N_TABLES * BATCH
NW = 32
ROWS_PER_W = TOT_ROWS // NW
CHUNK = 128
CHUNKS_PER_W = ROWS_PER_W // CHUNK
NBUF = 4
ROUNDS = CHUNKS_PER_W // NBUF


def _sc_gather(tab_flat, gidx):
    mesh = plsc.VectorSubcoreMesh(core_axis_name="c", subcore_axis_name="s")

    @functools.partial(
        pl.kernel,
        out_type=jax.ShapeDtypeStruct((TOT_ROWS, DIM), jnp.float32),
        mesh=mesh,
        scratch_types=[
            pltpu.VMEM((CHUNKS_PER_W, CHUNK), jnp.int32),
            pltpu.VMEM((NBUF, CHUNK, DIM), jnp.float32),
            pltpu.VMEM((NBUF, CHUNK, DIM), jnp.float32),
            pltpu.SemaphoreType.DMA,
            pltpu.SemaphoreType.DMA,
            pltpu.SemaphoreType.DMA,
            pltpu.SemaphoreType.DMA,
        ],
        compiler_params=pltpu.CompilerParams(use_tc_tiling_on_sc=False),
    )
    def k(tab_hbm, idx_hbm, out_hbm, idx_v, buf_a, buf_b, sga, sgb, swa, swb):
        wid = lax.axis_index("s") * 2 + lax.axis_index("c")
        c0 = wid * CHUNKS_PER_W
        r0 = c0 * CHUNK

        pltpu.sync_copy(idx_hbm.at[pl.ds(c0, CHUNKS_PER_W)], idx_v)

        def gather_round(r, buf, sem):
            for i in range(NBUF):
                pltpu.async_copy(tab_hbm.at[idx_v.at[r * NBUF + i]],
                                 buf.at[i], sem)

        def write_round(r, buf, sem):
            for i in range(NBUF):
                pltpu.async_copy(buf.at[i],
                                 out_hbm.at[pl.ds(r0 + (r * NBUF + i) * CHUNK,
                                                  CHUNK)], sem)

        def wait_gathers(buf, sem):
            for i in range(NBUF):
                pltpu.make_async_copy(tab_hbm.at[idx_v.at[0]],
                                      buf.at[i], sem).wait()

        def wait_writes(buf, sem):
            for i in range(NBUF):
                pltpu.make_async_copy(buf.at[i],
                                      out_hbm.at[pl.ds(0, CHUNK)], sem).wait()

        gather_round(0, buf_a, sga)

        @pl.loop(0, ROUNDS // 2)
        def _(t):
            @pl.when(t > 0)
            def _():
                wait_writes(buf_b, swb)
            gather_round(2 * t + 1, buf_b, sgb)
            wait_gathers(buf_a, sga)
            write_round(2 * t, buf_a, swa)
            wait_gathers(buf_b, sgb)
            wait_writes(buf_a, swa)

            @pl.when(t < ROUNDS // 2 - 1)
            def _():
                gather_round(2 * t + 2, buf_a, sga)
            write_round(2 * t + 1, buf_b, swb)

        wait_writes(buf_b, swb)

    return k(tab_flat, gidx)


BB = 512


def _tc_dense(emb3, w3, b2):

    def body(emb_ref, w_ref, b_ref, out_ref):
        acc = jnp.zeros((BB, OUT_DIM), jnp.float32)
        for j in range(N_TABLES):
            acc = acc + jnp.dot(emb_ref[j], w_ref[j],
                                precision=jax.lax.Precision.HIGHEST,
                                preferred_element_type=jnp.float32)
        out_ref[...] = acc + b_ref[...]

    return pl.pallas_call(
        body,
        grid=(BATCH // BB,),
        in_specs=[
            pl.BlockSpec((N_TABLES, BB, DIM), lambda i: (0, i, 0)),
            pl.BlockSpec((N_TABLES, DIM, OUT_DIM), lambda i: (0, 0, 0)),
            pl.BlockSpec((1, OUT_DIM), lambda i: (0, 0)),
        ],
        out_specs=pl.BlockSpec((BB, OUT_DIM), lambda i: (i, 0)),
        out_shape=jax.ShapeDtypeStruct((BATCH, OUT_DIM), jnp.float32),
        compiler_params=pltpu.CompilerParams(
            dimension_semantics=("parallel",)),
    )(emb3, w3, b2)


def kernel(inputs, tables, W, b):
    offs = (jnp.arange(N_TABLES, dtype=jnp.int32) * VOCAB)[:, None]
    gidx = (inputs + offs).reshape(TOT_ROWS // CHUNK, CHUNK)
    tab_flat = tables.reshape(N_TABLES * VOCAB, DIM)
    emb = _sc_gather(tab_flat, gidx)
    return _tc_dense(emb.reshape(N_TABLES, BATCH, DIM),
                     W.reshape(N_TABLES, DIM, OUT_DIM),
                     b.reshape(1, OUT_DIM))

# --- scband reference (transcript-rebuilt; emitter-appended) ---
"""Pipeline reference for scband-embedding-list-model-15814069584512 (READ-ONLY COPY).

The authoritative reference and input builder live on the scoring server;
editing this copy changes nothing except your own understanding.
"""

import jax, jax.numpy as jnp
import numpy as np

N_TABLES = 26
VOCAB = 100000
DIM = 32
BATCH = 16384


def setup_inputs(seed: int = 0) -> dict:
    key = jax.random.key(seed)
    k1, k2, k3, k4 = jax.random.split(key, 4)
    inputs = jax.random.randint(k1, (N_TABLES, BATCH), 0, VOCAB, dtype=jnp.int32)
    tables = jax.random.normal(k2, (N_TABLES, VOCAB, DIM), dtype=jnp.float32) * 0.05
    W = jax.random.normal(k3, (N_TABLES * DIM, 5), dtype=jnp.float32) * 0.05
    b = jnp.zeros((5,), dtype=jnp.float32)
    return {"inputs": inputs, "tables": tables, "W": W, "b": b}


def reference(inputs, tables, W, b):
    # Per-table embedding lookup: outs[j] = tables[j][inputs[j]]  -> [N_TABLES, BATCH, DIM]
    emb = jax.vmap(lambda t, idx: jnp.take(t, idx, axis=0))(tables, inputs)
    # concat along feature axis (axis=1 in the original: [B, sum(dims)])
    out = jnp.transpose(emb, (1, 0, 2)).reshape(inputs.shape[1], -1)
    # dense(5)
    return out @ W + b

if __name__ == "__main__":
    import jax
    _d = setup_inputs()
    print(jax.jit(kernel)(*tuple(_d.values())))

</pallas_src>

<mosaic_0001>
#map = affine_map<(d0, d1) -> (0, 0)>
module attributes {stable_mosaic.version = 14 : i64} {
  func.func @k(%arg0: i32, %arg1: i32, %arg2: memref<2600000x32xf32, #tpu.memory_space<hbm>>, %arg3: memref<3328x128xi32, #tpu.memory_space<hbm>>, %arg4: memref<425984x32xf32, #tpu.memory_space<hbm>>, %arg5: memref<104x128xi32, #tpu.memory_space<vmem>>, %arg6: memref<4x128x32xf32, #tpu.memory_space<vmem>>, %arg7: memref<4x128x32xf32, #tpu.memory_space<vmem>>, %arg8: memref<!tpu.dma_semaphore, #tpu.memory_space<semaphore_mem>>, %arg9: memref<!tpu.dma_semaphore, #tpu.memory_space<semaphore_mem>>, %arg10: memref<!tpu.dma_semaphore, #tpu.memory_space<semaphore_mem>>, %arg11: memref<!tpu.dma_semaphore, #tpu.memory_space<semaphore_mem>>) attributes {dimension_semantics = [#tpu.dimension_semantics<core_parallel>, #tpu.dimension_semantics<subcore_parallel>], iteration_bounds = array<i64: 2, 16>, scalar_prefetch = 0 : i64, scratch_operands = 7 : i64, tpu.core_type = #tpu.core_type<sc_vector_subcore>, window_params = [{transform_indices = #map}, {transform_indices = #map}, {transform_indices = #map}]} {
    %mul3A = arith.constant 2 : i32
    %mul3A_0 = arith.muli %arg1, %mul3A : i32
    %add3A = arith.addi %mul3A_0, %arg0 : i32
    %mul3A_1 = arith.constant 104 : i32
    %mul3A_2 = arith.muli %add3A, %mul3A_1 : i32
    %mul3A_3 = arith.constant 128 : i32
    %mul3A_4 = arith.muli %mul3A_2, %mul3A_3 : i32
    "tpu.region"() ({
      %run_scoped3A = tpu.sem_alloc : memref<!tpu.dma_semaphore, #tpu.memory_space<semaphore_mem>>
      %dma_start3A_115 = arith.constant 0 : i32
      %dma_start3A_116 = tpu.memref_slice %arg3[%mul3A_2, %dma_start3A_115] : memref<3328x128xi32, #tpu.memory_space<hbm>> -> memref<104x128xi32, #tpu.memory_space<hbm>>
      %dma_start3A_117 = arith.constant 0 : i32
      %dma_start3A_118 = tpu.memref_slice %arg3[%mul3A_2, %dma_start3A_117] : memref<3328x128xi32, #tpu.memory_space<hbm>> -> memref<104x128xi32, #tpu.memory_space<hbm>>
      tpu.enqueue_dma source(%dma_start3A_118 : memref<104x128xi32, #tpu.memory_space<hbm>>) target(%arg5 : memref<104x128xi32, #tpu.memory_space<vmem>>) target_semaphore(%run_scoped3A : memref<!tpu.dma_semaphore, #tpu.memory_space<semaphore_mem>>)
      %dma_wait3A_119 = arith.constant 0 : i32
      %dma_wait3A_120 = tpu.memref_slice %arg3[%mul3A_2, %dma_wait3A_119] : memref<3328x128xi32, #tpu.memory_space<hbm>> -> memref<104x128xi32, #tpu.memory_space<hbm>>
      %dma_wait3A_121 = arith.constant 0 : i32
      %dma_wait3A_122 = tpu.memref_slice %arg3[%mul3A_2, %dma_wait3A_121] : memref<3328x128xi32, #tpu.memory_space<hbm>> -> memref<104x128xi32, #tpu.memory_space<hbm>>
      tpu.wait_dma2 semaphore(%run_scoped3A : memref<!tpu.dma_semaphore, #tpu.memory_space<semaphore_mem>>) src(%dma_wait3A_122 : memref<104x128xi32, #tpu.memory_space<hbm>>) dst(%arg5 : memref<104x128xi32, #tpu.memory_space<vmem>>)
      tpu.yield
    }) : () -> ()
    %dma_start3A = arith.constant 0 : i32
    %dma_start3A_5 = arith.constant 0 : i32
    %dma_start3A_6 = arith.constant 0 : i32
    %dma_start3A_7 = arith.constant 0 : i32
    %dma_start3A_8 = tpu.memref_slice %arg6[%dma_start3A_5, %dma_start3A_6, %dma_start3A_7] : memref<4x128x32xf32, #tpu.memory_space<vmem>> -> memref<1x128x32xf32, #tpu.memory_space<vmem>>
    %dma_start3A_9 = tpu.memref_squeeze %dma_start3A_8 : memref<1x128x32xf32, #tpu.memory_space<vmem>> -> memref<128x32xf32, #tpu.memory_space<vmem>>
    %dma_start3A_10 = arith.constant 0 : i32
    %dma_start3A_11 = tpu.memref_slice %arg5[%dma_start3A, %dma_start3A_10] : memref<104x128xi32, #tpu.memory_space<vmem>> -> memref<1x128xi32, #tpu.memory_space<vmem>>
    %dma_start3A_12 = tpu.memref_squeeze %dma_start3A_11 : memref<1x128xi32, #tpu.memory_space<vmem>> -> memref<128xi32, #tpu.memory_space<vmem>>
    %dma_start3A_13 = arith.constant 0 : i32
    %dma_start3A_14 = arith.constant 0 : i32
    %dma_start3A_15 = tpu.memref_slice %arg2[%dma_start3A_13, %dma_start3A_14] : memref<2600000x32xf32, #tpu.memory_space<hbm>> -> memref<2600000x32xf32, #tpu.memory_space<hbm>>
    tpu.enqueue_indirect_dma source(%dma_start3A_15 : memref<2600000x32xf32, #tpu.memory_space<hbm>>) target(%dma_start3A_9 : memref<128x32xf32, #tpu.memory_space<vmem>>) offsets(%dma_start3A_12 : memref<128xi32, #tpu.memory_space<vmem>>) semaphore(%arg8 : memref<!tpu.dma_semaphore, #tpu.memory_space<semaphore_mem>>)
    %dma_start3A_16 = arith.constant 1 : i32
    %dma_start3A_17 = arith.constant 1 : i32
    %dma_start3A_18 = arith.constant 0 : i32
    %dma_start3A_19 = arith.constant 0 : i32
    %dma_start3A_20 = tpu.memref_slice %arg6[%dma_start3A_17, %dma_start3A_18, %dma_start3A_19] : memref<4x128x32xf32, #tpu.memory_space<vmem>> -> memref<1x128x32xf32, #tpu.memory_space<vmem>>
    %dma_start3A_21 = tpu.memref_squeeze %dma_start3A_20 : memref<1x128x32xf32, #tpu.memory_space<vmem>> -> memref<128x32xf32, #tpu.memory_space<vmem>>
    %dma_start3A_22 = arith.constant 0 : i32
    %dma_start3A_23 = tpu.memref_slice %arg5[%dma_start3A_16, %dma_start3A_22] : memref<104x128xi32, #tpu.memory_space<vmem>> -> memref<1x128xi32, #tpu.memory_space<vmem>>
    %dma_start3A_24 = tpu.memref_squeeze %dma_start3A_23 : memref<1x128xi32, #tpu.memory_space<vmem>> -> memref<128xi32, #tpu.memory_space<vmem>>
    %dma_start3A_25 = arith.constant 0 : i32
    %dma_start3A_26 = arith.constant 0 : i32
    %dma_start3A_27 = tpu.memref_slice %arg2[%dma_start3A_25, %dma_start3A_26] : memref<2600000x32xf32, #tpu.memory_space<hbm>> -> memref<2600000x32xf32, #tpu.memory_space<hbm>>
    tpu.enqueue_indirect_dma source(%dma_start3A_27 : memref<2600000x32xf32, #tpu.memory_space<hbm>>) target(%dma_start3A_21 : memref<128x32xf32, #tpu.memory_space<vmem>>) offsets(%dma_start3A_24 : memref<128xi32, #tpu.memory_space<vmem>>) semaphore(%arg8 : memref<!tpu.dma_semaphore, #tpu.memory_space<semaphore_mem>>)
    %dma_start3A_28 = arith.constant 2 : i32
    %dma_start3A_29 = arith.constant 2 : i32
    %dma_start3A_30 = arith.constant 0 : i32
    %dma_start3A_31 = arith.constant 0 : i32
    %dma_start3A_32 = tpu.memref_slice %arg6[%dma_start3A_29, %dma_start3A_30, %dma_start3A_31] : memref<4x128x32xf32, #tpu.memory_space<vmem>> -> memref<1x128x32xf32, #tpu.memory_space<vmem>>
    %dma_start3A_33 = tpu.memref_squeeze %dma_start3A_32 : memref<1x128x32xf32, #tpu.memory_space<vmem>> -> memref<128x32xf32, #tpu.memory_space<vmem>>
    %dma_start3A_34 = arith.constant 0 : i32
    %dma_start3A_35 = tpu.memref_slice %arg5[%dma_start3A_28, %dma_start3A_34] : memref<104x128xi32, #tpu.memory_space<vmem>> -> memref<1x128xi32, #tpu.memory_space<vmem>>
    %dma_start3A_36 = tpu.memref_squeeze %dma_start3A_35 : memref<1x128xi32, #tpu.memory_space<vmem>> -> memref<128xi32, #tpu.memory_space<vmem>>
    %dma_start3A_37 = arith.constant 0 : i32
    %dma_start3A_38 = arith.constant 0 : i32
    %dma_start3A_39 = tpu.memref_slice %arg2[%dma_start3A_37, %dma_start3A_38] : memref<2600000x32xf32, #tpu.memory_space<hbm>> -> memref<2600000x32xf32, #tpu.memory_space<hbm>>
    tpu.enqueue_indirect_dma source(%dma_start3A_39 : memref<2600000x32xf32, #tpu.memory_space<hbm>>) target(%dma_start3A_33 : memref<128x32xf32, #tpu.memory_space<vmem>>) offsets(%dma_start3A_36 : memref<128xi32, #tpu.memory_space<vmem>>) semaphore(%arg8 : memref<!tpu.dma_semaphore, #tpu.memory_space<semaphore_mem>>)
    %dma_start3A_40 = arith.constant 3 : i32
    %dma_start3A_41 = arith.constant 3 : i32
    %dma_start3A_42 = arith.constant 0 : i32
    %dma_start3A_43 = arith.constant 0 : i32
    %dma_start3A_44 = tpu.memref_slice %arg6[%dma_start3A_41, %dma_start3A_42, %dma_start3A_43] : memref<4x128x32xf32, #tpu.memory_space<vmem>> -> memref<1x128x32xf32, #tpu.memory_space<vmem>>
    %dma_start3A_45 = tpu.memref_squeeze %dma_start3A_44 : memref<1x128x32xf32, #tpu.memory_space<vmem>> -> memref<128x32xf32, #tpu.memory_space<vmem>>
    %dma_start3A_46 = arith.constant 0 : i32
    %dma_start3A_47 = tpu.memref_slice %arg5[%dma_start3A_40, %dma_start3A_46] : memref<104x128xi32, #tpu.memory_space<vmem>> -> memref<1x128xi32, #tpu.memory_space<vmem>>
    %dma_start3A_48 = tpu.memref_squeeze %dma_start3A_47 : memref<1x128xi32, #tpu.memory_space<vmem>> -> memref<128xi32, #tpu.memory_space<vmem>>
    %dma_start3A_49 = arith.constant 0 : i32
    %dma_start3A_50 = arith.constant 0 : i32
    %dma_start3A_51 = tpu.memref_slice %arg2[%dma_start3A_49, %dma_start3A_50] : memref<2600000x32xf32, #tpu.memory_space<hbm>> -> memref<2600000x32xf32, #tpu.memory_space<hbm>>
    tpu.enqueue_indirect_dma source(%dma_start3A_51 : memref<2600000x32xf32, #tpu.memory_space<hbm>>) target(%dma_start3A_45 : memref<128x32xf32, #tpu.memory_space<vmem>>) offsets(%dma_start3A_48 : memref<128xi32, #tpu.memory_space<vmem>>) semaphore(%arg8 : memref<!tpu.dma_semaphore, #tpu.memory_space<semaphore_mem>>)
    %scan3A = arith.constant 0 : i32
    %scan3A_52 = arith.constant 13 : i32
    %scan3A_53 = arith.addi %scan3A, %scan3A_52 : i32
    %scan3A_54 = arith.constant 1 : i32
    scf.for %scan3A_115 = %scan3A to %scan3A_53 step %scan3A_54  : i32 {
      %mul3A_116 = arith.constant 1 : i32
      %mul3A_117 = arith.muli %scan3A_115, %mul3A_116 : i32
      %add3A_118 = arith.constant 0 : i32
      %add3A_119 = arith.addi %add3A_118, %mul3A_117 : i32
      %gt3A = arith.constant 0 : i32
      %gt3A_120 = arith.cmpi sgt, %add3A_119, %gt3A : i32
      %convert_element_type3A = arith.extui %gt3A_120 : i1 to i32
      %cond3A = arith.constant 0 : i32
      %cond3A_121 = arith.cmpi ne, %convert_element_type3A, %cond3A : i32
      scf.if %cond3A_121 {
        %dma_wait3A_512 = arith.constant 0 : i32
        %dma_wait3A_513 = arith.constant 0 : i32
        %dma_wait3A_514 = arith.constant 0 : i32
        %dma_wait3A_515 = tpu.memref_slice %arg7[%dma_wait3A_512, %dma_wait3A_513, %dma_wait3A_514] : memref<4x128x32xf32, #tpu.memory_space<vmem>> -> memref<1x128x32xf32, #tpu.memory_space<vmem>>
        %dma_wait3A_516 = tpu.memref_squeeze %dma_wait3A_515 : memref<1x128x32xf32, #tpu.memory_space<vmem>> -> memref<128x32xf32, #tpu.memory_space<vmem>>
        %dma_wait3A_517 = arith.constant 0 : i32
        %dma_wait3A_518 = arith.constant 0 : i32
        %dma_wait3A_519 = tpu.memref_slice %arg4[%dma_wait3A_517, %dma_wait3A_518] : memref<425984x32xf32, #tpu.memory_space<hbm>> -> memref<128x32xf32, #tpu.memory_space<hbm>>
        %dma_wait3A_520 = arith.constant 0 : i32
        %dma_wait3A_521 = arith.constant 0 : i32
        %dma_wait3A_522 = tpu.memref_slice %arg4[%dma_wait3A_520, %dma_wait3A_521] : memref<425984x32xf32, #tpu.memory_space<hbm>> -> memref<128x32xf32, #tpu.memory_space<hbm>>
        %dma_wait3A_523 = arith.constant 0 : i32
        %dma_wait3A_524 = arith.constant 0 : i32
        %dma_wait3A_525 = tpu.memref_slice %arg7[%dma_wait3A_512, %dma_wait3A_523, %dma_wait3A_524] : memref<4x128x32xf32, #tpu.memory_space<vmem>> -> memref<1x128x32xf32, #tpu.memory_space<vmem>>
        %dma_wait3A_526 = tpu.memref_squeeze %dma_wait3A_525 : memref<1x128x32xf32, #tpu.memory_space<vmem>> -> memref<128x32xf32, #tpu.memory_space<vmem>>
        tpu.wait_dma2 semaphore(%arg11 : memref<!tpu.dma_semaphore, #tpu.memory_space<semaphore_mem>>) src(%dma_wait3A_526 : memref<128x32xf32, #tpu.memory_space<vmem>>) dst(%dma_wait3A_522 : memref<128x32xf32, #tpu.memory_space<hbm>>)
        %dma_wait3A_527 = arith.constant 1 : i32
        %dma_wait3A_528 = arith.constant 0 : i32
        %dma_wait3A_529 = arith.constant 0 : i32
        %dma_wait3A_530 = tpu.memref_slice %arg7[%dma_wait3A_527, %dma_wait3A_528, %dma_wait3A_529] : memref<4x128x32xf32, #tpu.memory_space<vmem>> -> memref<1x128x32xf32, #tpu.memory_space<vmem>>
        %dma_wait3A_531 = tpu.memref_squeeze %dma_wait3A_530 : memref<1x128x32xf32, #tpu.memory_space<vmem>> -> memref<128x32xf32, #tpu.memory_space<vmem>>
        %dma_wait3A_532 = arith.constant 0 : i32
        %dma_wait3A_533 = arith.constant 0 : i32
        %dma_wait3A_534 = tpu.memref_slice %arg4[%dma_wait3A_532, %dma_wait3A_533] : memref<425984x32xf32, #tpu.memory_space<hbm>> -> memref<128x32xf32, #tpu.memory_space<hbm>>
        %dma_wait3A_535 = arith.constant 0 : i32
        %dma_wait3A_536 = arith.constant 0 : i32
        %dma_wait3A_537 = tpu.memref_slice %arg4[%dma_wait3A_535, %dma_wait3A_536] : memref<425984x32xf32, #tpu.memory_space<hbm>> -> memref<128x32xf32, #tpu.memory_space<hbm>>
        %dma_wait3A_538 = arith.constant 0 : i32
        %dma_wait3A_539 = arith.constant 0 : i32
        %dma_wait3A_540 = tpu.memref_slice %arg7[%dma_wait3A_527, %dma_wait3A_538, %dma_wait3A_539] : memref<4x128x32xf32, #tpu.memory_space<vmem>> -> memref<1x128x32xf32, #tpu.memory_space<vmem>>
        %dma_wait3A_541 = tpu.memref_squeeze %dma_wait3A_540 : memref<1x128x32xf32, #tpu.memory_space<vmem>> -> memref<128x32xf32, #tpu.memory_space<vmem>>
        tpu.wait_dma2 semaphore(%arg11 : memref<!tpu.dma_semaphore, #tpu.memory_space<semaphore_mem>>) src(%dma_wait3A_541 : memref<128x32xf32, #tpu.memory_space<vmem>>) dst(%dma_wait3A_537 : memref<128x32xf32, #tpu.memory_space<hbm>>)
        %dma_wait3A_542 = arith.constant 2 : i32
        %dma_wait3A_543 = arith.constant 0 : i32
        %dma_wait3A_544 = arith.constant 0 : i32
        %dma_wait3A_545 = tpu.memref_slice %arg7[%dma_wait3A_542, %dma_wait3A_543, %dma_wait3A_544] : memref<4x128x32xf32, #tpu.memory_space<vmem>> -> memref<1x128x32xf32, #tpu.memory_space<vmem>>
        %dma_wait3A_546 = tpu.memref_squeeze %dma_wait3A_545 : memref<1x128x32xf32, #tpu.memory_space<vmem>> -> memref<128x32xf32, #tpu.memory_space<vmem>>
        %dma_wait3A_547 = arith.constant 0 : i32
        %dma_wait3A_548 = arith.constant 0 : i32
        %dma_wait3A_549 = tpu.memref_slice %arg4[%dma_wait3A_547, %dma_wait3A_548] : memref<425984x32xf32, #tpu.memory_space<hbm>> -> memref<128x32xf32, #tpu.memory_space<hbm>>
        %dma_wait3A_550 = arith.constant 0 : i32
        %dma_wait3A_551 = arith.constant 0 : i32
        %dma_wait3A_552 = tpu.memref_slice %arg4[%dma_wait3A_550, %dma_wait3A_551] : memref<425984x32xf32, #tpu.memory_space<hbm>> -> memref<128x32xf32, #tpu.memory_space<hbm>>
        %dma_wait3A_553 = arith.constant 0 : i32
        %dma_wait3A_554 = arith.constant 0 : i32
        %dma_wait3A_555 = tpu.memref_slice %arg7[%dma_wait3A_542, %dma_wait3A_553, %dma_wait3A_554] : memref<4x128x32xf32, #tpu.memory_space<vmem>> -> memref<1x128x32xf32, #tpu.memory_space<vmem>>
        %dma_wait3A_556 = tpu.memref_squeeze %dma_wait3A_555 : memref<1x128x32xf32, #tpu.memory_space<vmem>> -> memref<128x32xf32, #tpu.memory_space<vmem>>
        tpu.wait_dma2 semaphore(%arg11 : memref<!tpu.dma_semaphore, #tpu.memory_space<semaphore_mem>>) src(%dma_wait3A_556 : memref<128x32xf32, #tpu.memory_space<vmem>>) dst(%dma_wait3A_552 : memref<128x32xf32, #tpu.memory_space<hbm>>)
        %dma_wait3A_557 = arith.constant 3 : i32
        %dma_wait3A_558 = arith.constant 0 : i32
        %dma_wait3A_559 = arith.constant 0 : i32
        %dma_wait3A_560 = tpu.memref_slice %arg7[%dma_wait3A_557, %dma_wait3A_558, %dma_wait3A_559] : memref<4x128x32xf32, #tpu.memory_space<vmem>> -> memref<1x128x32xf32, #tpu.memory_space<vmem>>
        %dma_wait3A_561 = tpu.memref_squeeze %dma_wait3A_560 : memref<1x128x32xf32, #tpu.memory_space<vmem>> -> memref<128x32xf32, #tpu.memory_space<vmem>>
        %dma_wait3A_562 = arith.constant 0 : i32
        %dma_wait3A_563 = arith.constant 0 : i32
        %dma_wait3A_564 = tpu.memref_slice %arg4[%dma_wait3A_562, %dma_wait3A_563] : memref<425984x32xf32, #tpu.memory_space<hbm>> -> memref<128x32xf32, #tpu.memory_space<hbm>>
        %dma_wait3A_565 = arith.constant 0 : i32
        %dma_wait3A_566 = arith.constant 0 : i32
        %dma_wait3A_567 = tpu.memref_slice %arg4[%dma_wait3A_565, %dma_wait3A_566] : memref<425984x32xf32, #tpu.memory_space<hbm>> -> memref<128x32xf32, #tpu.memory_space<hbm>>
        %dma_wait3A_568 = arith.constant 0 : i32
        %dma_wait3A_569 = arith.constant 0 : i32
        %dma_wait3A_570 = tpu.memref_slice %arg7[%dma_wait3A_557, %dma_wait3A_568, %dma_wait3A_569] : memref<4x128x32xf32, #tpu.memory_space<vmem>> -> memref<1x128x32xf32, #tpu.memory_space<vmem>>
        %dma_wait3A_571 = tpu.memref_squeeze %dma_wait3A_570 : memref<1x128x32xf32, #tpu.memory_space<vmem>> -> memref<128x32xf32, #tpu.memory_space<vmem>>
        tpu.wait_dma2 semaphore(%arg11 : memref<!tpu.dma_semaphore, #tpu.memory_space<semaphore_mem>>) src(%dma_wait3A_571 : memref<128x32xf32, #tpu.memory_space<vmem>>) dst(%dma_wait3A_567 : memref<128x32xf32, #tpu.memory_space<hbm>>)
      } else {
      }
      %mul3A_122 = arith.constant 2 : i32
      %mul3A_123 = arith.muli %mul3A_122, %add3A_119 : i32
      %add3A_124 = arith.constant 1 : i32
      %add3A_125 = arith.addi %mul3A_123, %add3A_124 : i32
      %mul3A_126 = arith.constant 4 : i32
      %mul3A_127 = arith.muli %add3A_125, %mul3A_126 : i32
      %add3A_128 = arith.constant 0 : i32
      %add3A_129 = arith.addi %mul3A_127, %add3A_128 : i32
      %dma_start3A_130 = arith.constant 0 : i32
      %dma_start3A_131 = arith.constant 0 : i32
      %dma_start3A_132 = arith.constant 0 : i32
      %dma_start3A_133 = tpu.memref_slice %arg7[%dma_start3A_130, %dma_start3A_131, %dma_start3A_132] : memref<4x128x32xf32, #tpu.memory_space<vmem>> -> memref<1x128x32xf32, #tpu.memory_space<vmem>>
      %dma_start3A_134 = tpu.memref_squeeze %dma_start3A_133 : memref<1x128x32xf32, #tpu.memory_space<vmem>> -> memref<128x32xf32, #tpu.memory_space<vmem>>
      %dma_start3A_135 = arith.constant 0 : i32
      %dma_start3A_136 = tpu.memref_slice %arg5[%add3A_129, %dma_start3A_135] : memref<104x128xi32, #tpu.memory_space<vmem>> -> memref<1x128xi32, #tpu.memory_space<vmem>>
      %dma_start3A_137 = tpu.memref_squeeze %dma_start3A_136 : memref<1x128xi32, #tpu.memory_space<vmem>> -> memref<128xi32, #tpu.memory_space<vmem>>
      %dma_start3A_138 = arith.constant 0 : i32
      %dma_start3A_139 = arith.constant 0 : i32
      %dma_start3A_140 = tpu.memref_slice %arg2[%dma_start3A_138, %dma_start3A_139] : memref<2600000x32xf32, #tpu.memory_space<hbm>> -> memref<2600000x32xf32, #tpu.memory_space<hbm>>
      tpu.enqueue_indirect_dma source(%dma_start3A_140 : memref<2600000x32xf32, #tpu.memory_space<hbm>>) target(%dma_start3A_134 : memref<128x32xf32, #tpu.memory_space<vmem>>) offsets(%dma_start3A_137 : memref<128xi32, #tpu.memory_space<vmem>>) semaphore(%arg9 : memref<!tpu.dma_semaphore, #tpu.memory_space<semaphore_mem>>)
      %mul3A_141 = arith.constant 4 : i32
      %mul3A_142 = arith.muli %add3A_125, %mul3A_141 : i32
      %add3A_143 = arith.constant 1 : i32
      %add3A_144 = arith.addi %mul3A_142, %add3A_143 : i32
      %dma_start3A_145 = arith.constant 1 : i32
      %dma_start3A_146 = arith.constant 0 : i32
      %dma_start3A_147 = arith.constant 0 : i32
      %dma_start3A_148 = tpu.memref_slice %arg7[%dma_start3A_145, %dma_start3A_146, %dma_start3A_147] : memref<4x128x32xf32, #tpu.memory_space<vmem>> -> memref<1x128x32xf32, #tpu.memory_space<vmem>>
      %dma_start3A_149 = tpu.memref_squeeze %dma_start3A_148 : memref<1x128x32xf32, #tpu.memory_space<vmem>> -> memref<128x32xf32, #tpu.memory_space<vmem>>
      %dma_start3A_150 = arith.constant 0 : i32
      %dma_start3A_151 = tpu.memref_slice %arg5[%add3A_144, %dma_start3A_150] : memref<104x128xi32, #tpu.memory_space<vmem>> -> memref<1x128xi32, #tpu.memory_space<vmem>>
      %dma_start3A_152 = tpu.memref_squeeze %dma_start3A_151 : memref<1x128xi32, #tpu.memory_space<vmem>> -> memref<128xi32, #tpu.memory_space<vmem>>
      %dma_start3A_153 = arith.constant 0 : i32
      %dma_start3A_154 = arith.constant 0 : i32
      %dma_start3A_155 = tpu.memref_slice %arg2[%dma_start3A_153, %dma_start3A_154] : memref<2600000x32xf32, #tpu.memory_space<hbm>> -> memref<2600000x32xf32, #tpu.memory_space<hbm>>
      tpu.enqueue_indirect_dma source(%dma_start3A_155 : memref<2600000x32xf32, #tpu.memory_space<hbm>>) target(%dma_start3A_149 : memref<128x32xf32, #tpu.memory_space<vmem>>) offsets(%dma_start3A_152 : memref<128xi32, #tpu.memory_space<vmem>>) semaphore(%arg9 : memref<!tpu.dma_semaphore, #tpu.memory_space<semaphore_mem>>)
      %mul3A_156 = arith.constant 4 : i32
      %mul3A_157 = arith.muli %add3A_125, %mul3A_156 : i32
      %add3A_158 = arith.constant 2 : i32
      %add3A_159 = arith.addi %mul3A_157, %add3A_158 : i32
      %dma_start3A_160 = arith.constant 2 : i32
      %dma_start3A_161 = arith.constant 0 : i32
      %dma_start3A_162 = arith.constant 0 : i32
      %dma_start3A_163 = tpu.memref_slice %arg7[%dma_start3A_160, %dma_start3A_161, %dma_start3A_162] : memref<4x128x32xf32, #tpu.memory_space<vmem>> -> memref<1x128x32xf32, #tpu.memory_space<vmem>>
      %dma_start3A_164 = tpu.memref_squeeze %dma_start3A_163 : memref<1x128x32xf32, #tpu.memory_space<vmem>> -> memref<128x32xf32, #tpu.memory_space<vmem>>
      %dma_start3A_165 = arith.constant 0 : i32
      %dma_start3A_166 = tpu.memref_slice %arg5[%add3A_159, %dma_start3A_165] : memref<104x128xi32, #tpu.memory_space<vmem>> -> memref<1x128xi32, #tpu.memory_space<vmem>>
      %dma_start3A_167 = tpu.memref_squeeze %dma_start3A_166 : memref<1x128xi32, #tpu.memory_space<vmem>> -> memref<128xi32, #tpu.memory_space<vmem>>
      %dma_start3A_168 = arith.constant 0 : i32
      %dma_start3A_169 = arith.constant 0 : i32
      %dma_start3A_170 = tpu.memref_slice %arg2[%dma_start3A_168, %dma_start3A_169] : memref<2600000x32xf32, #tpu.memory_space<hbm>> -> memref<2600000x32xf32, #tpu.memory_space<hbm>>
      tpu.enqueue_indirect_dma source(%dma_start3A_170 : memref<2600000x32xf32, #tpu.memory_space<hbm>>) target(%dma_start3A_164 : memref<128x32xf32, #tpu.memory_space<vmem>>) offsets(%dma_start3A_167 : memref<128xi32, #tpu.memory_space<vmem>>) semaphore(%arg9 : memref<!tpu.dma_semaphore, #tpu.memory_space<semaphore_mem>>)
      %mul3A_171 = arith.constant 4 : i32
      %mul3A_172 = arith.muli %add3A_125, %mul3A_171 : i32
      %add3A_173 = arith.constant 3 : i32
      %add3A_174 = arith.addi %mul3A_172, %add3A_173 : i32
      %dma_start3A_175 = arith.constant 3 : i32
      %dma_start3A_176 = arith.constant 0 : i32
      %dma_start3A_177 = arith.constant 0 : i32
      %dma_start3A_178 = tpu.memref_slice %arg7[%dma_start3A_175, %dma_start3A_176, %dma_start3A_177] : memref<4x128x32xf32, #tpu.memory_space<vmem>> -> memref<1x128x32xf32, #tpu.memory_space<vmem>>
      %dma_start3A_179 = tpu.memref_squeeze %dma_start3A_178 : memref<1x128x32xf32, #tpu.memory_space<vmem>> -> memref<128x32xf32, #tpu.memory_space<vmem>>
      %dma_start3A_180 = arith.constant 0 : i32
      %dma_start3A_181 = tpu.memref_slice %arg5[%add3A_174, %dma_start3A_180] : memref<104x128xi32, #tpu.memory_space<vmem>> -> memref<1x128xi32, #tpu.memory_space<vmem>>
      %dma_start3A_182 = tpu.memref_squeeze %dma_start3A_181 : memref<1x128xi32, #tpu.memory_space<vmem>> -> memref<128xi32, #tpu.memory_space<vmem>>
      %dma_start3A_183 = arith.constant 0 : i32
      %dma_start3A_184 = arith.constant 0 : i32
      %dma_start3A_185 = tpu.memref_slice %arg2[%dma_start3A_183, %dma_start3A_184] : memref<2600000x32xf32, #tpu.memory_space<hbm>> -> memref<2600000x32xf32, #tpu.memory_space<hbm>>
      tpu.enqueue_indirect_dma source(%dma_start3A_185 : memref<2600000x32xf32, #tpu.memory_space<hbm>>) target(%dma_start3A_179 : memref<128x32xf32, #tpu.memory_space<vmem>>) offsets(%dma_start3A_182 : memref<128xi32, #tpu.memory_space<vmem>>) semaphore(%arg9 : memref<!tpu.dma_semaphore, #tpu.memory_space<semaphore_mem>>)
      %dma_wait3A_186 = arith.constant 0 : i32
      %dma_wait3A_187 = arith.constant 0 : i32
      %dma_wait3A_188 = arith.constant 0 : i32
      %dma_wait3A_189 = arith.constant 0 : i32
      %dma_wait3A_190 = tpu.memref_slice %arg6[%dma_wait3A_187, %dma_wait3A_188, %dma_wait3A_189] : memref<4x128x32xf32, #tpu.memory_space<vmem>> -> memref<1x128x32xf32, #tpu.memory_space<vmem>>
      %dma_wait3A_191 = tpu.memref_squeeze %dma_wait3A_190 : memref<1x128x32xf32, #tpu.memory_space<vmem>> -> memref<128x32xf32, #tpu.memory_space<vmem>>
      %dma_wait3A_192 = arith.constant 0 : i32
      %dma_wait3A_193 = tpu.memref_slice %arg5[%dma_wait3A_186, %dma_wait3A_192] : memref<104x128xi32, #tpu.memory_space<vmem>> -> memref<1x128xi32, #tpu.memory_space<vmem>>
      %dma_wait3A_194 = tpu.memref_squeeze %dma_wait3A_193 : memref<1x128xi32, #tpu.memory_space<vmem>> -> memref<128xi32, #tpu.memory_space<vmem>>
      %dma_wait3A_195 = arith.constant 0 : i32
      %dma_wait3A_196 = arith.constant 0 : i32
      %dma_wait3A_197 = tpu.memref_slice %arg2[%dma_wait3A_195, %dma_wait3A_196] : memref<2600000x32xf32, #tpu.memory_space<hbm>> -> memref<2600000x32xf32, #tpu.memory_space<hbm>>
      tpu.wait_indirect_dma semaphore(%arg8 : memref<!tpu.dma_semaphore, #tpu.memory_space<semaphore_mem>>) src(%dma_wait3A_197 : memref<2600000x32xf32, #tpu.memory_space<hbm>>) dst(%dma_wait3A_191 : memref<128x32xf32, #tpu.memory_space<vmem>>)
      %dma_wait3A_198 = arith.constant 0 : i32
      %dma_wait3A_199 = arith.constant 1 : i32
      %dma_wait3A_200 = arith.constant 0 : i32
      %dma_wait3A_201 = arith.constant 0 : i32
      %dma_wait3A_202 = tpu.memref_slice %arg6[%dma_wait3A_199, %dma_wait3A_200, %dma_wait3A_201] : memref<4x128x32xf32, #tpu.memory_space<vmem>> -> memref<1x128x32xf32, #tpu.memory_space<vmem>>
      %dma_wait3A_203 = tpu.memref_squeeze %dma_wait3A_202 : memref<1x128x32xf32, #tpu.memory_space<vmem>> -> memref<128x32xf32, #tpu.memory_space<vmem>>
      %dma_wait3A_204 = arith.constant 0 : i32
      %dma_wait3A_205 = tpu.memref_slice %arg5[%dma_wait3A_198, %dma_wait3A_204] : memref<104x128xi32, #tpu.memory_space<vmem>> -> memref<1x128xi32, #tpu.memory_space<vmem>>
      %dma_wait3A_206 = tpu.memref_squeeze %dma_wait3A_205 : memref<1x128xi32, #tpu.memory_space<vmem>> -> memref<128xi32, #tpu.memory_space<vmem>>
      %dma_wait3A_207 = arith.constant 0 : i32
      %dma_wait3A_208 = arith.constant 0 : i32
      %dma_wait3A_209 = tpu.memref_slice %arg2[%dma_wait3A_207, %dma_wait3A_208] : memref<2600000x32xf32, #tpu.memory_space<hbm>> -> memref<2600000x32xf32, #tpu.memory_space<hbm>>
      tpu.wait_indirect_dma semaphore(%arg8 : memref<!tpu.dma_semaphore, #tpu.memory_space<semaphore_mem>>) src(%dma_wait3A_209 : memref<2600000x32xf32, #tpu.memory_space<hbm>>) dst(%dma_wait3A_203 : memref<128x32xf32, #tpu.memory_space<vmem>>)
      %dma_wait3A_210 = arith.constant 0 : i32
      %dma_wait3A_211 = arith.constant 2 : i32
      %dma_wait3A_212 = arith.constant 0 : i32
      %dma_wait3A_213 = arith.constant 0 : i32
      %dma_wait3A_214 = tpu.memref_slice %arg6[%dma_wait3A_211, %dma_wait3A_212, %dma_wait3A_213] : memref<4x128x32xf32, #tpu.memory_space<vmem>> -> memref<1x128x32xf32, #tpu.memory_space<vmem>>
      %dma_wait3A_215 = tpu.memref_squeeze %dma_wait3A_214 : memref<1x128x32xf32, #tpu.memory_space<vmem>> -> memref<128x32xf32, #tpu.memory_space<vmem>>
      %dma_wait3A_216 = arith.constant 0 : i32
      %dma_wait3A_217 = tpu.memref_slice %arg5[%dma_wait3A_210, %dma_wait3A_216] : memref<104x128xi32, #tpu.memory_space<vmem>> -> memref<1x128xi32, #tpu.memory_space<vmem>>
      %dma_wait3A_218 = tpu.memref_squeeze %dma_wait3A_217 : memref<1x128xi32, #tpu.memory_space<vmem>> -> memref<128xi32, #tpu.memory_space<vmem>>
      %dma_wait3A_219 = arith.constant 0 : i32
      %dma_wait3A_220 = arith.constant 0 : i32
      %dma_wait3A_221 = tpu.memref_slice %arg2[%dma_wait3A_219, %dma_wait3A_220] : memref<2600000x32xf32, #tpu.memory_space<hbm>> -> memref<2600000x32xf32, #tpu.memory_space<hbm>>
      tpu.wait_indirect_dma semaphore(%arg8 : memref<!tpu.dma_semaphore, #tpu.memory_space<semaphore_mem>>) src(%dma_wait3A_221 : memref<2600000x32xf32, #tpu.memory_space<hbm>>) dst(%dma_wait3A_215 : memref<128x32xf32, #tpu.memory_space<vmem>>)
      %dma_wait3A_222 = arith.constant 0 : i32
      %dma_wait3A_223 = arith.constant 3 : i32
      %dma_wait3A_224 = arith.constant 0 : i32
      %dma_wait3A_225 = arith.constant 0 : i32
      %dma_wait3A_226 = tpu.memref_slice %arg6[%dma_wait3A_223, %dma_wait3A_224, %dma_wait3A_225] : memref<4x128x32xf32, #tpu.memory_space<vmem>> -> memref<1x128x32xf32, #tpu.memory_space<vmem>>
      %dma_wait3A_227 = tpu.memref_squeeze %dma_wait3A_226 : memref<1x128x32xf32, #tpu.memory_space<vmem>> -> memref<128x32xf32, #tpu.memory_space<vmem>>
      %dma_wait3A_228 = arith.constant 0 : i32
      %dma_wait3A_229 = tpu.memref_slice %arg5[%dma_wait3A_222, %dma_wait3A_228] : memref<104x128xi32, #tpu.memory_space<vmem>> -> memref<1x128xi32, #tpu.memory_space<vmem>>
      %dma_wait3A_230 = tpu.memref_squeeze %dma_wait3A_229 : memref<1x128xi32, #tpu.memory_space<vmem>> -> memref<128xi32, #tpu.memory_space<vmem>>
      %dma_wait3A_231 = arith.constant 0 : i32
      %dma_wait3A_232 = arith.constant 0 : i32
      %dma_wait3A_233 = tpu.memref_slice %arg2[%dma_wait3A_231, %dma_wait3A_232] : memref<2600000x32xf32, #tpu.memory_space<hbm>> -> memref<2600000x32xf32, #tpu.memory_space<hbm>>
      tpu.wait_indirect_dma semaphore(%arg8 : memref<!tpu.dma_semaphore, #tpu.memory_space<semaphore_mem>>) src(%dma_wait3A_233 : memref<2600000x32xf32, #tpu.memory_space<hbm>>) dst(%dma_wait3A_227 : memref<128x32xf32, #tpu.memory_space<vmem>>)
      %mul3A_234 = arith.constant 2 : i32
      %mul3A_235 = arith.muli %mul3A_234, %add3A_119 : i32
      %mul3A_236 = arith.constant 4 : i32
      %mul3A_237 = arith.muli %mul3A_235, %mul3A_236 : i32
      %add3A_238 = arith.constant 0 : i32
      %add3A_239 = arith.addi %mul3A_237, %add3A_238 : i32
      %mul3A_240 = arith.constant 128 : i32
      %mul3A_241 = arith.muli %add3A_239, %mul3A_240 : i32
      %add3A_242 = arith.addi %mul3A_4, %mul3A_241 : i32
      %dma_start3A_243 = arith.constant 0 : i32
      %dma_start3A_244 = arith.constant 0 : i32
      %dma_start3A_245 = arith.constant 0 : i32
      %dma_start3A_246 = tpu.memref_slice %arg6[%dma_start3A_243, %dma_start3A_244, %dma_start3A_245] : memref<4x128x32xf32, #tpu.memory_space<vmem>> -> memref<1x128x32xf32, #tpu.memory_space<vmem>>
      %dma_start3A_247 = tpu.memref_squeeze %dma_start3A_246 : memref<1x128x32xf32, #tpu.memory_space<vmem>> -> memref<128x32xf32, #tpu.memory_space<vmem>>
      %dma_start3A_248 = arith.constant 0 : i32
      %dma_start3A_249 = tpu.memref_slice %arg4[%add3A_242, %dma_start3A_248] : memref<425984x32xf32, #tpu.memory_space<hbm>> -> memref<128x32xf32, #tpu.memory_space<hbm>>
      %dma_start3A_250 = arith.constant 0 : i32
      %dma_start3A_251 = tpu.memref_slice %arg4[%add3A_242, %dma_start3A_250] : memref<425984x32xf32, #tpu.memory_space<hbm>> -> memref<128x32xf32, #tpu.memory_space<hbm>>
      %dma_start3A_252 = arith.constant 0 : i32
      %dma_start3A_253 = arith.constant 0 : i32
      %dma_start3A_254 = tpu.memref_slice %arg6[%dma_start3A_243, %dma_start3A_252, %dma_start3A_253] : memref<4x128x32xf32, #tpu.memory_space<vmem>> -> memref<1x128x32xf32, #tpu.memory_space<vmem>>
      %dma_start3A_255 = tpu.memref_squeeze %dma_start3A_254 : memref<1x128x32xf32, #tpu.memory_space<vmem>> -> memref<128x32xf32, #tpu.memory_space<vmem>>
      tpu.enqueue_dma source(%dma_start3A_255 : memref<128x32xf32, #tpu.memory_space<vmem>>) target(%dma_start3A_251 : memref<128x32xf32, #tpu.memory_space<hbm>>) target_semaphore(%arg10 : memref<!tpu.dma_semaphore, #tpu.memory_space<semaphore_mem>>)
      %mul3A_256 = arith.constant 4 : i32
      %mul3A_257 = arith.muli %mul3A_235, %mul3A_256 : i32
      %add3A_258 = arith.constant 1 : i32
      %add3A_259 = arith.addi %mul3A_257, %add3A_258 : i32
      %mul3A_260 = arith.constant 128 : i32
      %mul3A_261 = arith.muli %add3A_259, %mul3A_260 : i32
      %add3A_262 = arith.addi %mul3A_4, %mul3A_261 : i32
      %dma_start3A_263 = arith.constant 1 : i32
      %dma_start3A_264 = arith.constant 0 : i32
      %dma_start3A_265 = arith.constant 0 : i32
      %dma_start3A_266 = tpu.memref_slice %arg6[%dma_start3A_263, %dma_start3A_264, %dma_start3A_265] : memref<4x128x32xf32, #tpu.memory_space<vmem>> -> memref<1x128x32xf32, #tpu.memory_space<vmem>>
      %dma_start3A_267 = tpu.memref_squeeze %dma_start3A_266 : memref<1x128x32xf32, #tpu.memory_space<vmem>> -> memref<128x32xf32, #tpu.memory_space<vmem>>
      %dma_start3A_268 = arith.constant 0 : i32
      %dma_start3A_269 = tpu.memref_slice %arg4[%add3A_262, %dma_start3A_268] : memref<425984x32xf32, #tpu.memory_space<hbm>> -> memref<128x32xf32, #tpu.memory_space<hbm>>
      %dma_start3A_270 = arith.constant 0 : i32
      %dma_start3A_271 = tpu.memref_slice %arg4[%add3A_262, %dma_start3A_270] : memref<425984x32xf32, #tpu.memory_space<hbm>> -> memref<128x32xf32, #tpu.memory_space<hbm>>
      %dma_start3A_272 = arith.constant 0 : i32
      %dma_start3A_273 = arith.constant 0 : i32
      %dma_start3A_274 = tpu.memref_slice %arg6[%dma_start3A_263, %dma_start3A_272, %dma_start3A_273] : memref<4x128x32xf32, #tpu.memory_space<vmem>> -> memref<1x128x32xf32, #tpu.memory_space<vmem>>
      %dma_start3A_275 = tpu.memref_squeeze %dma_start3A_274 : memref<1x128x32xf32, #tpu.memory_space<vmem>> -> memref<128x32xf32, #tpu.memory_space<vmem>>
      tpu.enqueue_dma source(%dma_start3A_275 : memref<128x32xf32, #tpu.memory_space<vmem>>) target(%dma_start3A_271 : memref<128x32xf32, #tpu.memory_space<hbm>>) target_semaphore(%arg10 : memref<!tpu.dma_semaphore, #tpu.memory_space<semaphore_mem>>)
      %mul3A_276 = arith.constant 4 : i32
      %mul3A_277 = arith.muli %mul3A_235, %mul3A_276 : i32
      %add3A_278 = arith.constant 2 : i32
      %add3A_279 = arith.addi %mul3A_277, %add3A_278 : i32
      %mul3A_280 = arith.constant 128 : i32
      %mul3A_281 = arith.muli %add3A_279, %mul3A_280 : i32
      %add3A_282 = arith.addi %mul3A_4, %mul3A_281 : i32
      %dma_start3A_283 = arith.constant 2 : i32
      %dma_start3A_284 = arith.constant 0 : i32
      %dma_start3A_285 = arith.constant 0 : i32
      %dma_start3A_286 = tpu.memref_slice %arg6[%dma_start3A_283, %dma_start3A_284, %dma_start3A_285] : memref<4x128x32xf32, #tpu.memory_space<vmem>> -> memref<1x128x32xf32, #tpu.memory_space<vmem>>
      %dma_start3A_287 = tpu.memref_squeeze %dma_start3A_286 : memref<1x128x32xf32, #tpu.memory_space<vmem>> -> memref<128x32xf32, #tpu.memory_space<vmem>>
      %dma_start3A_288 = arith.constant 0 : i32
      %dma_start3A_289 = tpu.memref_slice %arg4[%add3A_282, %dma_start3A_288] : memref<425984x32xf32, #tpu.memory_space<hbm>> -> memref<128x32xf32, #tpu.memory_space<hbm>>
      %dma_start3A_290 = arith.constant 0 : i32
      %dma_start3A_291 = tpu.memref_slice %arg4[%add3A_282, %dma_start3A_290] : memref<425984x32xf32, #tpu.memory_space<hbm>> -> memref<128x32xf32, #tpu.memory_space<hbm>>
      %dma_start3A_292 = arith.constant 0 : i32
      %dma_start3A_293 = arith.constant 0 : i32
      %dma_start3A_294 = tpu.memref_slice %arg6[%dma_start3A_283, %dma_start3A_292, %dma_start3A_293] : memref<4x128x32xf32, #tpu.memory_space<vmem>> -> memref<1x128x32xf32, #tpu.memory_space<vmem>>
      %dma_start3A_295 = tpu.memref_squeeze %dma_start3A_294 : memref<1x128x32xf32, #tpu.memory_space<vmem>> -> memref<128x32xf32, #tpu.memory_space<vmem>>
      tpu.enqueue_dma source(%dma_start3A_295 : memref<128x32xf32, #tpu.memory_space<vmem>>) target(%dma_start3A_291 : memref<128x32xf32, #tpu.memory_space<hbm>>) target_semaphore(%arg10 : memref<!tpu.dma_semaphore, #tpu.memory_space<semaphore_mem>>)
      %mul3A_296 = arith.constant 4 : i32
      %mul3A_297 = arith.muli %mul3A_235, %mul3A_296 : i32
      %add3A_298 = arith.constant 3 : i32
      %add3A_299 = arith.addi %mul3A_297, %add3A_298 : i32
      %mul3A_300 = arith.constant 128 : i32
      %mul3A_301 = arith.muli %add3A_299, %mul3A_300 : i32
      %add3A_302 = arith.addi %mul3A_4, %mul3A_301 : i32
      %dma_start3A_303 = arith.constant 3 : i32
      %dma_start3A_304 = arith.constant 0 : i32
      %dma_start3A_305 = arith.constant 0 : i32
      %dma_start3A_306 = tpu.memref_slice %arg6[%dma_start3A_303, %dma_start3A_304, %dma_start3A_305] : memref<4x128x32xf32, #tpu.memory_space<vmem>> -> memref<1x128x32xf32, #tpu.memory_space<vmem>>
      %dma_start3A_307 = tpu.memref_squeeze %dma_start3A_306 : memref<1x128x32xf32, #tpu.memory_space<vmem>> -> memref<128x32xf32, #tpu.memory_space<vmem>>
      %dma_start3A_308 = arith.constant 0 : i32
      %dma_start3A_309 = tpu.memref_slice %arg4[%add3A_302, %dma_start3A_308] : memref<425984x32xf32, #tpu.memory_space<hbm>> -> memref<128x32xf32, #tpu.memory_space<hbm>>
      %dma_start3A_310 = arith.constant 0 : i32
      %dma_start3A_311 = tpu.memref_slice %arg4[%add3A_302, %dma_start3A_310] : memref<425984x32xf32, #tpu.memory_space<hbm>> -> memref<128x32xf32, #tpu.memory_space<hbm>>
      %dma_start3A_312 = arith.constant 0 : i32
      %dma_start3A_313 = arith.constant 0 : i32
      %dma_start3A_314 = tpu.memref_slice %arg6[%dma_start3A_303, %dma_start3A_312, %dma_start3A_313] : memref<4x128x32xf32, #tpu.memory_space<vmem>> -> memref<1x128x32xf32, #tpu.memory_space<vmem>>
      %dma_start3A_315 = tpu.memref_squeeze %dma_start3A_314 : memref<1x128x32xf32, #tpu.memory_space<vmem>> -> memref<128x32xf32, #tpu.memory_space<vmem>>
      tpu.enqueue_dma source(%dma_start3A_315 : memref<128x32xf32, #tpu.memory_space<vmem>>) target(%dma_start3A_311 : memref<128x32xf32, #tpu.memory_space<hbm>>) target_semaphore(%arg10 : memref<!tpu.dma_semaphore, #tpu.memory_space<semaphore_mem>>)
      %dma_wait3A_316 = arith.constant 0 : i32
      %dma_wait3A_317 = arith.constant 0 : i32
      %dma_wait3A_318 = arith.constant 0 : i32
      %dma_wait3A_319 = arith.constant 0 : i32
      %dma_wait3A_320 = tpu.memref_slice %arg7[%dma_wait3A_317, %dma_wait3A_318, %dma_wait3A_319] : memref<4x128x32xf32, #tpu.memory_space<vmem>> -> memref<1x128x32xf32, #tpu.memory_space<vmem>>
      %dma_wait3A_321 = tpu.memref_squeeze %dma_wait3A_320 : memref<1x128x32xf32, #tpu.memory_space<vmem>> -> memref<128x32xf32, #tpu.memory_space<vmem>>
      %dma_wait3A_322 = arith.constant 0 : i32
      %dma_wait3A_323 = tpu.memref_slice %arg5[%dma_wait3A_316, %dma_wait3A_322] : memref<104x128xi32, #tpu.memory_space<vmem>> -> memref<1x128xi32, #tpu.memory_space<vmem>>
      %dma_wait3A_324 = tpu.memref_squeeze %dma_wait3A_323 : memref<1x128xi32, #tpu.memory_space<vmem>> -> memref<128xi32, #tpu.memory_space<vmem>>
      %dma_wait3A_325 = arith.constant 0 : i32
      %dma_wait3A_326 = arith.constant 0 : i32
      %dma_wait3A_327 = tpu.memref_slice %arg2[%dma_wait3A_325, %dma_wait3A_326] : memref<2600000x32xf32, #tpu.memory_space<hbm>> -> memref<2600000x32xf32, #tpu.memory_space<hbm>>
      tpu.wait_indirect_dma semaphore(%arg9 : memref<!tpu.dma_semaphore, #tpu.memory_space<semaphore_mem>>) src(%dma_wait3A_327 : memref<2600000x32xf32, #tpu.memory_space<hbm>>) dst(%dma_wait3A_321 : memref<128x32xf32, #tpu.memory_space<vmem>>)
      %dma_wait3A_328 = arith.constant 0 : i32
      %dma_wait3A_329 = arith.constant 1 : i32
      %dma_wait3A_330 = arith.constant 0 : i32
      %dma_wait3A_331 = arith.constant 0 : i32
      %dma_wait3A_332 = tpu.memref_slice %arg7[%dma_wait3A_329, %dma_wait3A_330, %dma_wait3A_331] : memref<4x128x32xf32, #tpu.memory_space<vmem>> -> memref<1x128x32xf32, #tpu.memory_space<vmem>>
      %dma_wait3A_333 = tpu.memref_squeeze %dma_wait3A_332 : memref<1x128x32xf32, #tpu.memory_space<vmem>> -> memref<128x32xf32, #tpu.memory_space<vmem>>
      %dma_wait3A_334 = arith.constant 0 : i32
      %dma_wait3A_335 = tpu.memref_slice %arg5[%dma_wait3A_328, %dma_wait3A_334] : memref<104x128xi32, #tpu.memory_space<vmem>> -> memref<1x128xi32, #tpu.memory_space<vmem>>
      %dma_wait3A_336 = tpu.memref_squeeze %dma_wait3A_335 : memref<1x128xi32, #tpu.memory_space<vmem>> -> memref<128xi32, #tpu.memory_space<vmem>>
      %dma_wait3A_337 = arith.constant 0 : i32
      %dma_wait3A_338 = arith.constant 0 : i32
      %dma_wait3A_339 = tpu.memref_slice %arg2[%dma_wait3A_337, %dma_wait3A_338] : memref<2600000x32xf32, #tpu.memory_space<hbm>> -> memref<2600000x32xf32, #tpu.memory_space<hbm>>
      tpu.wait_indirect_dma semaphore(%arg9 : memref<!tpu.dma_semaphore, #tpu.memory_space<semaphore_mem>>) src(%dma_wait3A_339 : memref<2600000x32xf32, #tpu.memory_space<hbm>>) dst(%dma_wait3A_333 : memref<128x32xf32, #tpu.memory_space<vmem>>)
      %dma_wait3A_340 = arith.constant 0 : i32
      %dma_wait3A_341 = arith.constant 2 : i32
      %dma_wait3A_342 = arith.constant 0 : i32
      %dma_wait3A_343 = arith.constant 0 : i32
      %dma_wait3A_344 = tpu.memref_slice %arg7[%dma_wait3A_341, %dma_wait3A_342, %dma_wait3A_343] : memref<4x128x32xf32, #tpu.memory_space<vmem>> -> memref<1x128x32xf32, #tpu.memory_space<vmem>>
      %dma_wait3A_345 = tpu.memref_squeeze %dma_wait3A_344 : memref<1x128x32xf32, #tpu.memory_space<vmem>> -> memref<128x32xf32, #tpu.memory_space<vmem>>
      %dma_wait3A_346 = arith.constant 0 : i32
      %dma_wait3A_347 = tpu.memref_slice %arg5[%dma_wait3A_340, %dma_wait3A_346] : memref<104x128xi32, #tpu.memory_space<vmem>> -> memref<1x128xi32, #tpu.memory_space<vmem>>
      %dma_wait3A_348 = tpu.memref_squeeze %dma_wait3A_347 : memref<1x128xi32, #tpu.memory_space<vmem>> -> memref<128xi32, #tpu.memory_space<vmem>>
      %dma_wait3A_349 = arith.constant 0 : i32
      %dma_wait3A_350 = arith.constant 0 : i32
      %dma_wait3A_351 = tpu.memref_slice %arg2[%dma_wait3A_349, %dma_wait3A_350] : memref<2600000x32xf32, #tpu.memory_space<hbm>> -> memref<2600000x32xf32, #tpu.memory_space<hbm>>
      tpu.wait_indirect_dma semaphore(%arg9 : memref<!tpu.dma_semaphore, #tpu.memory_space<semaphore_mem>>) src(%dma_wait3A_351 : memref<2600000x32xf32, #tpu.memory_space<hbm>>) dst(%dma_wait3A_345 : memref<128x32xf32, #tpu.memory_space<vmem>>)
      %dma_wait3A_352 = arith.constant 0 : i32
      %dma_wait3A_353 = arith.constant 3 : i32
      %dma_wait3A_354 = arith.constant 0 : i32
      %dma_wait3A_355 = arith.constant 0 : i32
      %dma_wait3A_356 = tpu.memref_slice %arg7[%dma_wait3A_353, %dma_wait3A_354, %dma_wait3A_355] : memref<4x128x32xf32, #tpu.memory_space<vmem>> -> memref<1x128x32xf32, #tpu.memory_space<vmem>>
      %dma_wait3A_357 = tpu.memref_squeeze %dma_wait3A_356 : memref<1x128x32xf32, #tpu.memory_space<vmem>> -> memref<128x32xf32, #tpu.memory_space<vmem>>
      %dma_wait3A_358 = arith.constant 0 : i32
      %dma_wait3A_359 = tpu.memref_slice %arg5[%dma_wait3A_352, %dma_wait3A_358] : memref<104x128xi32, #tpu.memory_space<vmem>> -> memref<1x128xi32, #tpu.memory_space<vmem>>
      %dma_wait3A_360 = tpu.memref_squeeze %dma_wait3A_359 : memref<1x128xi32, #tpu.memory_space<vmem>> -> memref<128xi32, #tpu.memory_space<vmem>>
      %dma_wait3A_361 = arith.constant 0 : i32
      %dma_wait3A_362 = arith.constant 0 : i32
      %dma_wait3A_363 = tpu.memref_slice %arg2[%dma_wait3A_361, %dma_wait3A_362] : memref<2600000x32xf32, #tpu.memory_space<hbm>> -> memref<2600000x32xf32, #tpu.memory_space<hbm>>
      tpu.wait_indirect_dma semaphore(%arg9 : memref<!tpu.dma_semaphore, #tpu.memory_space<semaphore_mem>>) src(%dma_wait3A_363 : memref<2600000x32xf32, #tpu.memory_space<hbm>>) dst(%dma_wait3A_357 : memref<128x32xf32, #tpu.memory_space<vmem>>)
      %dma_wait3A_364 = arith.constant 0 : i32
      %dma_wait3A_365 = arith.constant 0 : i32
      %dma_wait3A_366 = arith.constant 0 : i32
      %dma_wait3A_367 = tpu.memref_slice %arg6[%dma_wait3A_364, %dma_wait3A_365, %dma_wait3A_366] : memref<4x128x32xf32, #tpu.memory_space<vmem>> -> memref<1x128x32xf32, #tpu.memory_space<vmem>>
      %dma_wait3A_368 = tpu.memref_squeeze %dma_wait3A_367 : memref<1x128x32xf32, #tpu.memory_space<vmem>> -> memref<128x32xf32, #tpu.memory_space<vmem>>
      %dma_wait3A_369 = arith.constant 0 : i32
      %dma_wait3A_370 = arith.constant 0 : i32
      %dma_wait3A_371 = tpu.memref_slice %arg4[%dma_wait3A_369, %dma_wait3A_370] : memref<425984x32xf32, #tpu.memory_space<hbm>> -> memref<128x32xf32, #tpu.memory_space<hbm>>
      %dma_wait3A_372 = arith.constant 0 : i32
      %dma_wait3A_373 = arith.constant 0 : i32
      %dma_wait3A_374 = tpu.memref_slice %arg4[%dma_wait3A_372, %dma_wait3A_373] : memref<425984x32xf32, #tpu.memory_space<hbm>> -> memref<128x32xf32, #tpu.memory_space<hbm>>
      %dma_wait3A_375 = arith.constant 0 : i32
      %dma_wait3A_376 = arith.constant 0 : i32
      %dma_wait3A_377 = tpu.memref_slice %arg6[%dma_wait3A_364, %dma_wait3A_375, %dma_wait3A_376] : memref<4x128x32xf32, #tpu.memory_space<vmem>> -> memref<1x128x32xf32, #tpu.memory_space<vmem>>
      %dma_wait3A_378 = tpu.memref_squeeze %dma_wait3A_377 : memref<1x128x32xf32, #tpu.memory_space<vmem>> -> memref<128x32xf32, #tpu.memory_space<vmem>>
      tpu.wait_dma2 semaphore(%arg10 : memref<!tpu.dma_semaphore, #tpu.memory_space<semaphore_mem>>) src(%dma_wait3A_378 : memref<128x32xf32, #tpu.memory_space<vmem>>) dst(%dma_wait3A_374 : memref<128x32xf32, #tpu.memory_space<hbm>>)
      %dma_wait3A_379 = arith.constant 1 : i32
      %dma_wait3A_380 = arith.constant 0 : i32
      %dma_wait3A_381 = arith.constant 0 : i32
      %dma_wait3A_382 = tpu.memref_slice %arg6[%dma_wait3A_379, %dma_wait3A_380, %dma_wait3A_381] : memref<4x128x32xf32, #tpu.memory_space<vmem>> -> memref<1x128x32xf32, #tpu.memory_space<vmem>>
      %dma_wait3A_383 = tpu.memref_squeeze %dma_wait3A_382 : memref<1x128x32xf32, #tpu.memory_space<vmem>> -> memref<128x32xf32, #tpu.memory_space<vmem>>
      %dma_wait3A_384 = arith.constant 0 : i32
      %dma_wait3A_385 = arith.constant 0 : i32
      %dma_wait3A_386 = tpu.memref_slice %arg4[%dma_wait3A_384, %dma_wait3A_385] : memref<425984x32xf32, #tpu.memory_space<hbm>> -> memref<128x32xf32, #tpu.memory_space<hbm>>
      %dma_wait3A_387 = arith.constant 0 : i32
      %dma_wait3A_388 = arith.constant 0 : i32
      %dma_wait3A_389 = tpu.memref_slice %arg4[%dma_wait3A_387, %dma_wait3A_388] : memref<425984x32xf32, #tpu.memory_space<hbm>> -> memref<128x32xf32, #tpu.memory_space<hbm>>
      %dma_wait3A_390 = arith.constant 0 : i32
      %dma_wait3A_391 = arith.constant 0 : i32
      %dma_wait3A_392 = tpu.memref_slice %arg6[%dma_wait3A_379, %dma_wait3A_390, %dma_wait3A_391] : memref<4x128x32xf32, #tpu.memory_space<vmem>> -> memref<1x128x32xf32, #tpu.memory_space<vmem>>
      %dma_wait3A_393 = tpu.memref_squeeze %dma_wait3A_392 : memref<1x128x32xf32, #tpu.memory_space<vmem>> -> memref<128x32xf32, #tpu.memory_space<vmem>>
      tpu.wait_dma2 semaphore(%arg10 : memref<!tpu.dma_semaphore, #tpu.memory_space<semaphore_mem>>) src(%dma_wait3A_393 : memref<128x32xf32, #tpu.memory_space<vmem>>) dst(%dma_wait3A_389 : memref<128x32xf32, #tpu.memory_space<hbm>>)
      %dma_wait3A_394 = arith.constant 2 : i32
      %dma_wait3A_395 = arith.constant 0 : i32
      %dma_wait3A_396 = arith.constant 0 : i32
      %dma_wait3A_397 = tpu.memref_slice %arg6[%dma_wait3A_394, %dma_wait3A_395, %dma_wait3A_396] : memref<4x128x32xf32, #tpu.memory_space<vmem>> -> memref<1x128x32xf32, #tpu.memory_space<vmem>>
      %dma_wait3A_398 = tpu.memref_squeeze %dma_wait3A_397 : memref<1x128x32xf32, #tpu.memory_space<vmem>> -> memref<128x32xf32, #tpu.memory_space<vmem>>
      %dma_wait3A_399 = arith.constant 0 : i32
      %dma_wait3A_400 = arith.constant 0 : i32
      %dma_wait3A_401 = tpu.memref_slice %arg4[%dma_wait3A_399, %dma_wait3A_400] : memref<425984x32xf32, #tpu.memory_space<hbm>> -> memref<128x32xf32, #tpu.memory_space<hbm>>
      %dma_wait3A_402 = arith.constant 0 : i32
      %dma_wait3A_403 = arith.constant 0 : i32
      %dma_wait3A_404 = tpu.memref_slice %arg4[%dma_wait3A_402, %dma_wait3A_403] : memref<425984x32xf32, #tpu.memory_space<hbm>> -> memref<128x32xf32, #tpu.memory_space<hbm>>
      %dma_wait3A_405 = arith.constant 0 : i32
      %dma_wait3A_406 = arith.constant 0 : i32
      %dma_wait3A_407 = tpu.memref_slice %arg6[%dma_wait3A_394, %dma_wait3A_405, %dma_wait3A_406] : memref<4x128x32xf32, #tpu.memory_space<vmem>> -> memref<1x128x32xf32, #tpu.memory_space<vmem>>
      %dma_wait3A_408 = tpu.memref_squeeze %dma_wait3A_407 : memref<1x128x32xf32, #tpu.memory_space<vmem>> -> memref<128x32xf32, #tpu.memory_space<vmem>>
      tpu.wait_dma2 semaphore(%arg10 : memref<!tpu.dma_semaphore, #tpu.memory_space<semaphore_mem>>) src(%dma_wait3A_408 : memref<128x32xf32, #tpu.memory_space<vmem>>) dst(%dma_wait3A_404 : memref<128x32xf32, #tpu.memory_space<hbm>>)
      %dma_wait3A_409 = arith.constant 3 : i32
      %dma_wait3A_410 = arith.constant 0 : i32
      %dma_wait3A_411 = arith.constant 0 : i32
      %dma_wait3A_412 = tpu.memref_slice %arg6[%dma_wait3A_409, %dma_wait3A_410, %dma_wait3A_411] : memref<4x128x32xf32, #tpu.memory_space<vmem>> -> memref<1x128x32xf32, #tpu.memory_space<vmem>>
      %dma_wait3A_413 = tpu.memref_squeeze %dma_wait3A_412 : memref<1x128x32xf32, #tpu.memory_space<vmem>> -> memref<128x32xf32, #tpu.memory_space<vmem>>
      %dma_wait3A_414 = arith.constant 0 : i32
      %dma_wait3A_415 = arith.constant 0 : i32
      %dma_wait3A_416 = tpu.memref_slice %arg4[%dma_wait3A_414, %dma_wait3A_415] : memref<425984x32xf32, #tpu.memory_space<hbm>> -> memref<128x32xf32, #tpu.memory_space<hbm>>
      %dma_wait3A_417 = arith.constant 0 : i32
      %dma_wait3A_418 = arith.constant 0 : i32
      %dma_wait3A_419 = tpu.memref_slice %arg4[%dma_wait3A_417, %dma_wait3A_418] : memref<425984x32xf32, #tpu.memory_space<hbm>> -> memref<128x32xf32, #tpu.memory_space<hbm>>
      %dma_wait3A_420 = arith.constant 0 : i32
      %dma_wait3A_421 = arith.constant 0 : i32
      %dma_wait3A_422 = tpu.memref_slice %arg6[%dma_wait3A_409, %dma_wait3A_420, %dma_wait3A_421] : memref<4x128x32xf32, #tpu.memory_space<vmem>> -> memref<1x128x32xf32, #tpu.memory_space<vmem>>
      %dma_wait3A_423 = tpu.memref_squeeze %dma_wait3A_422 : memref<1x128x32xf32, #tpu.memory_space<vmem>> -> memref<128x32xf32, #tpu.memory_space<vmem>>
      tpu.wait_dma2 semaphore(%arg10 : memref<!tpu.dma_semaphore, #tpu.memory_space<semaphore_mem>>) src(%dma_wait3A_423 : memref<128x32xf32, #tpu.memory_space<vmem>>) dst(%dma_wait3A_419 : memref<128x32xf32, #tpu.memory_space<hbm>>)
      %lt3A = arith.constant 12 : i32
      %lt3A_424 = arith.cmpi slt, %add3A_119, %lt3A : i32
      %convert_element_type3A_425 = arith.extui %lt3A_424 : i1 to i32
      %cond3A_426 = arith.constant 0 : i32
      %cond3A_427 = arith.cmpi ne, %convert_element_type3A_425, %cond3A_426 : i32
      scf.if %cond3A_427 {
        %mul3A_512 = arith.constant 2 : i32
        %mul3A_513 = arith.muli %mul3A_512, %add3A_119 : i32
        %add3A_514 = arith.constant 2 : i32
        %add3A_515 = arith.addi %mul3A_513, %add3A_514 : i32
        %mul3A_516 = arith.constant 4 : i32
        %mul3A_517 = arith.muli %add3A_515, %mul3A_516 : i32
        %add3A_518 = arith.constant 0 : i32
        %add3A_519 = arith.addi %mul3A_517, %add3A_518 : i32
        %dma_start3A_520 = arith.constant 0 : i32
        %dma_start3A_521 = arith.constant 0 : i32
        %dma_start3A_522 = arith.constant 0 : i32
        %dma_start3A_523 = tpu.memref_slice %arg6[%dma_start3A_520, %dma_start3A_521, %dma_start3A_522] : memref<4x128x32xf32, #tpu.memory_space<vmem>> -> memref<1x128x32xf32, #tpu.memory_space<vmem>>
        %dma_start3A_524 = tpu.memref_squeeze %dma_start3A_523 : memref<1x128x32xf32, #tpu.memory_space<vmem>> -> memref<128x32xf32, #tpu.memory_space<vmem>>
        %dma_start3A_525 = arith.constant 0 : i32
        %dma_start3A_526 = tpu.memref_slice %arg5[%add3A_519, %dma_start3A_525] : memref<104x128xi32, #tpu.memory_space<vmem>> -> memref<1x128xi32, #tpu.memory_space<vmem>>
        %dma_start3A_527 = tpu.memref_squeeze %dma_start3A_526 : memref<1x128xi32, #tpu.memory_space<vmem>> -> memref<128xi32, #tpu.memory_space<vmem>>
        %dma_start3A_528 = arith.constant 0 : i32
        %dma_start3A_529 = arith.constant 0 : i32
        %dma_start3A_530 = tpu.memref_slice %arg2[%dma_start3A_528, %dma_start3A_529] : memref<2600000x32xf32, #tpu.memory_space<hbm>> -> memref<2600000x32xf32, #tpu.memory_space<hbm>>
        tpu.enqueue_indirect_dma source(%dma_start3A_530 : memref<2600000x32xf32, #tpu.memory_space<hbm>>) target(%dma_start3A_524 : memref<128x32xf32, #tpu.memory_space<vmem>>) offsets(%dma_start3A_527 : memref<128xi32, #tpu.memory_space<vmem>>) semaphore(%arg8 : memref<!tpu.dma_semaphore, #tpu.memory_space<semaphore_mem>>)
        %mul3A_531 = arith.constant 4 : i32
        %mul3A_532 = arith.muli %add3A_515, %mul3A_531 : i32
        %add3A_533 = arith.constant 1 : i32
        %add3A_534 = arith.addi %mul3A_532, %add3A_533 : i32
        %dma_start3A_535 = arith.constant 1 : i32
        %dma_start3A_536 = arith.constant 0 : i32
        %dma_start3A_537 = arith.constant 0 : i32
        %dma_start3A_538 = tpu.memref_slice %arg6[%dma_start3A_535, %dma_start3A_536, %dma_start3A_537] : memref<4x128x32xf32, #tpu.memory_space<vmem>> -> memref<1x128x32xf32, #tpu.memory_space<vmem>>
        %dma_start3A_539 = tpu.memref_squeeze %dma_start3A_538 : memref<1x128x32xf32, #tpu.memory_space<vmem>> -> memref<128x32xf32, #tpu.memory_space<vmem>>
        %dma_start3A_540 = arith.constant 0 : i32
        %dma_start3A_541 = tpu.memref_slice %arg5[%add3A_534, %dma_start3A_540] : memref<104x128xi32, #tpu.memory_space<vmem>> -> memref<1x128xi32, #tpu.memory_space<vmem>>
        %dma_start3A_542 = tpu.memref_squeeze %dma_start3A_541 : memref<1x128xi32, #tpu.memory_space<vmem>> -> memref<128xi32, #tpu.memory_space<vmem>>
        %dma_start3A_543 = arith.constant 0 : i32
        %dma_start3A_544 = arith.constant 0 : i32
        %dma_start3A_545 = tpu.memref_slice %arg2[%dma_start3A_543, %dma_start3A_544] : memref<2600000x32xf32, #tpu.memory_space<hbm>> -> memref<2600000x32xf32, #tpu.memory_space<hbm>>
        tpu.enqueue_indirect_dma source(%dma_start3A_545 : memref<2600000x32xf32, #tpu.memory_space<hbm>>) target(%dma_start3A_539 : memref<128x32xf32, #tpu.memory_space<vmem>>) offsets(%dma_start3A_542 : memref<128xi32, #tpu.memory_space<vmem>>) semaphore(%arg8 : memref<!tpu.dma_semaphore, #tpu.memory_space<semaphore_mem>>)
        %mul3A_546 = arith.constant 4 : i32
        %mul3A_547 = arith.muli %add3A_515, %mul3A_546 : i32
        %add3A_548 = arith.constant 2 : i32
        %add3A_549 = arith.addi %mul3A_547, %add3A_548 : i32
        %dma_start3A_550 = arith.constant 2 : i32
        %dma_start3A_551 = arith.constant 0 : i32
        %dma_start3A_552 = arith.constant 0 : i32
        %dma_start3A_553 = tpu.memref_slice %arg6[%dma_start3A_550, %dma_start3A_551, %dma_start3A_552] : memref<4x128x32xf32, #tpu.memory_space<vmem>> -> memref<1x128x32xf32, #tpu.memory_space<vmem>>
        %dma_start3A_554 = tpu.memref_squeeze %dma_start3A_553 : memref<1x128x32xf32, #tpu.memory_space<vmem>> -> memref<128x32xf32, #tpu.memory_space<vmem>>
        %dma_start3A_555 = arith.constant 0 : i32
        %dma_start3A_556 = tpu.memref_slice %arg5[%add3A_549, %dma_start3A_555] : memref<104x128xi32, #tpu.memory_space<vmem>> -> memref<1x128xi32, #tpu.memory_space<vmem>>
        %dma_start3A_557 = tpu.memref_squeeze %dma_start3A_556 : memref<1x128xi32, #tpu.memory_space<vmem>> -> memref<128xi32, #tpu.memory_space<vmem>>
        %dma_start3A_558 = arith.constant 0 : i32
        %dma_start3A_559 = arith.constant 0 : i32
        %dma_start3A_560 = tpu.memref_slice %arg2[%dma_start3A_558, %dma_start3A_559] : memref<2600000x32xf32, #tpu.memory_space<hbm>> -> memref<2600000x32xf32, #tpu.memory_space<hbm>>
        tpu.enqueue_indirect_dma source(%dma_start3A_560 : memref<2600000x32xf32, #tpu.memory_space<hbm>>) target(%dma_start3A_554 : memref<128x32xf32, #tpu.memory_space<vmem>>) offsets(%dma_start3A_557 : memref<128xi32, #tpu.memory_space<vmem>>) semaphore(%arg8 : memref<!tpu.dma_semaphore, #tpu.memory_space<semaphore_mem>>)
        %mul3A_561 = arith.constant 4 : i32
        %mul3A_562 = arith.muli %add3A_515, %mul3A_561 : i32
        %add3A_563 = arith.constant 3 : i32
        %add3A_564 = arith.addi %mul3A_562, %add3A_563 : i32
        %dma_start3A_565 = arith.constant 3 : i32
        %dma_start3A_566 = arith.constant 0 : i32
        %dma_start3A_567 = arith.constant 0 : i32
        %dma_start3A_568 = tpu.memref_slice %arg6[%dma_start3A_565, %dma_start3A_566, %dma_start3A_567] : memref<4x128x32xf32, #tpu.memory_space<vmem>> -> memref<1x128x32xf32, #tpu.memory_space<vmem>>
        %dma_start3A_569 = tpu.memref_squeeze %dma_start3A_568 : memref<1x128x32xf32, #tpu.memory_space<vmem>> -> memref<128x32xf32, #tpu.memory_space<vmem>>
        %dma_start3A_570 = arith.constant 0 : i32
        %dma_start3A_571 = tpu.memref_slice %arg5[%add3A_564, %dma_start3A_570] : memref<104x128xi32, #tpu.memory_space<vmem>> -> memref<1x128xi32, #tpu.memory_space<vmem>>
        %dma_start3A_572 = tpu.memref_squeeze %dma_start3A_571 : memref<1x128xi32, #tpu.memory_space<vmem>> -> memref<128xi32, #tpu.memory_space<vmem>>
        %dma_start3A_573 = arith.constant 0 : i32
        %dma_start3A_574 = arith.constant 0 : i32
        %dma_start3A_575 = tpu.memref_slice %arg2[%dma_start3A_573, %dma_start3A_574] : memref<2600000x32xf32, #tpu.memory_space<hbm>> -> memref<2600000x32xf32, #tpu.memory_space<hbm>>
        tpu.enqueue_indirect_dma source(%dma_start3A_575 : memref<2600000x32xf32, #tpu.memory_space<hbm>>) target(%dma_start3A_569 : memref<128x32xf32, #tpu.memory_space<vmem>>) offsets(%dma_start3A_572 : memref<128xi32, #tpu.memory_space<vmem>>) semaphore(%arg8 : memref<!tpu.dma_semaphore, #tpu.memory_space<semaphore_mem>>)
      } else {
      }
      %mul3A_428 = arith.constant 2 : i32
      %mul3A_429 = arith.muli %mul3A_428, %add3A_119 : i32
      %add3A_430 = arith.constant 1 : i32
      %add3A_431 = arith.addi %mul3A_429, %add3A_430 : i32
      %mul3A_432 = arith.constant 4 : i32
      %mul3A_433 = arith.muli %add3A_431, %mul3A_432 : i32
      %add3A_434 = arith.constant 0 : i32
      %add3A_435 = arith.addi %mul3A_433, %add3A_434 : i32
      %mul3A_436 = arith.constant 128 : i32
      %mul3A_437 = arith.muli %add3A_435, %mul3A_436 : i32
      %add3A_438 = arith.addi %mul3A_4, %mul3A_437 : i32
      %dma_start3A_439 = arith.constant 0 : i32
      %dma_start3A_440 = arith.constant 0 : i32
      %dma_start3A_441 = arith.constant 0 : i32
      %dma_start3A_442 = tpu.memref_slice %arg7[%dma_start3A_439, %dma_start3A_440, %dma_start3A_441] : memref<4x128x32xf32, #tpu.memory_space<vmem>> -> memref<1x128x32xf32, #tpu.memory_space<vmem>>
      %dma_start3A_443 = tpu.memref_squeeze %dma_start3A_442 : memref<1x128x32xf32, #tpu.memory_space<vmem>> -> memref<128x32xf32, #tpu.memory_space<vmem>>
      %dma_start3A_444 = arith.constant 0 : i32
      %dma_start3A_445 = tpu.memref_slice %arg4[%add3A_438, %dma_start3A_444] : memref<425984x32xf32, #tpu.memory_space<hbm>> -> memref<128x32xf32, #tpu.memory_space<hbm>>
      %dma_start3A_446 = arith.constant 0 : i32
      %dma_start3A_447 = tpu.memref_slice %arg4[%add3A_438, %dma_start3A_446] : memref<425984x32xf32, #tpu.memory_space<hbm>> -> memref<128x32xf32, #tpu.memory_space<hbm>>
      %dma_start3A_448 = arith.constant 0 : i32
      %dma_start3A_449 = arith.constant 0 : i32
      %dma_start3A_450 = tpu.memref_slice %arg7[%dma_start3A_439, %dma_start3A_448, %dma_start3A_449] : memref<4x128x32xf32, #tpu.memory_space<vmem>> -> memref<1x128x32xf32, #tpu.memory_space<vmem>>
      %dma_start3A_451 = tpu.memref_squeeze %dma_start3A_450 : memref<1x128x32xf32, #tpu.memory_space<vmem>> -> memref<128x32xf32, #tpu.memory_space<vmem>>
      tpu.enqueue_dma source(%dma_start3A_451 : memref<128x32xf32, #tpu.memory_space<vmem>>) target(%dma_start3A_447 : memref<128x32xf32, #tpu.memory_space<hbm>>) target_semaphore(%arg11 : memref<!tpu.dma_semaphore, #tpu.memory_space<semaphore_mem>>)
      %mul3A_452 = arith.constant 4 : i32
      %mul3A_453 = arith.muli %add3A_431, %mul3A_452 : i32
      %add3A_454 = arith.constant 1 : i32
      %add3A_455 = arith.addi %mul3A_453, %add3A_454 : i32
      %mul3A_456 = arith.constant 128 : i32
      %mul3A_457 = arith.muli %add3A_455, %mul3A_456 : i32
      %add3A_458 = arith.addi %mul3A_4, %mul3A_457 : i32
      %dma_start3A_459 = arith.constant 1 : i32
      %dma_start3A_460 = arith.constant 0 : i32
      %dma_start3A_461 = arith.constant 0 : i32
      %dma_start3A_462 = tpu.memref_slice %arg7[%dma_start3A_459, %dma_start3A_460, %dma_start3A_461] : memref<4x128x32xf32, #tpu.memory_space<vmem>> -> memref<1x128x32xf32, #tpu.memory_space<vmem>>
      %dma_start3A_463 = tpu.memref_squeeze %dma_start3A_462 : memref<1x128x32xf32, #tpu.memory_space<vmem>> -> memref<128x32xf32, #tpu.memory_space<vmem>>
      %dma_start3A_464 = arith.constant 0 : i32
      %dma_start3A_465 = tpu.memref_slice %arg4[%add3A_458, %dma_start3A_464] : memref<425984x32xf32, #tpu.memory_space<hbm>> -> memref<128x32xf32, #tpu.memory_space<hbm>>
      %dma_start3A_466 = arith.constant 0 : i32
      %dma_start3A_467 = tpu.memref_slice %arg4[%add3A_458, %dma_start3A_466] : memref<425984x32xf32, #tpu.memory_space<hbm>> -> memref<128x32xf32, #tpu.memory_space<hbm>>
      %dma_start3A_468 = arith.constant 0 : i32
      %dma_start3A_469 = arith.constant 0 : i32
      %dma_start3A_470 = tpu.memref_slice %arg7[%dma_start3A_459, %dma_start3A_468, %dma_start3A_469] : memref<4x128x32xf32, #tpu.memory_space<vmem>> -> memref<1x128x32xf32, #tpu.memory_space<vmem>>
      %dma_start3A_471 = tpu.memref_squeeze %dma_start3A_470 : memref<1x128x32xf32, #tpu.memory_space<vmem>> -> memref<128x32xf32, #tpu.memory_space<vmem>>
      tpu.enqueue_dma source(%dma_start3A_471 : memref<128x32xf32, #tpu.memory_space<vmem>>) target(%dma_start3A_467 : memref<128x32xf32, #tpu.memory_space<hbm>>) target_semaphore(%arg11 : memref<!tpu.dma_semaphore, #tpu.memory_space<semaphore_mem>>)
      %mul3A_472 = arith.constant 4 : i32
      %mul3A_473 = arith.muli %add3A_431, %mul3A_472 : i32
      %add3A_474 = arith.constant 2 : i32
      %add3A_475 = arith.addi %mul3A_473, %add3A_474 : i32
      %mul3A_476 = arith.constant 128 : i32
      %mul3A_477 = arith.muli %add3A_475, %mul3A_476 : i32
      %add3A_478 = arith.addi %mul3A_4, %mul3A_477 : i32
      %dma_start3A_479 = arith.constant 2 : i32
      %dma_start3A_480 = arith.constant 0 : i32
      %dma_start3A_481 = arith.constant 0 : i32
      %dma_start3A_482 = tpu.memref_slice %arg7[%dma_start3A_479, %dma_start3A_480, %dma_start3A_481] : memref<4x128x32xf32, #tpu.memory_space<vmem>> -> memref<1x128x32xf32, #tpu.memory_space<vmem>>
      %dma_start3A_483 = tpu.memref_squeeze %dma_start3A_482 : memref<1x128x32xf32, #tpu.memory_space<vmem>> -> memref<128x32xf32, #tpu.memory_space<vmem>>
      %dma_start3A_484 = arith.constant 0 : i32
      %dma_start3A_485 = tpu.memref_slice %arg4[%add3A_478, %dma_start3A_484] : memref<425984x32xf32, #tpu.memory_space<hbm>> -> memref<128x32xf32, #tpu.memory_space<hbm>>
      %dma_start3A_486 = arith.constant 0 : i32
      %dma_start3A_487 = tpu.memref_slice %arg4[%add3A_478, %dma_start3A_486] : memref<425984x32xf32, #tpu.memory_space<hbm>> -> memref<128x32xf32, #tpu.memory_space<hbm>>
      %dma_start3A_488 = arith.constant 0 : i32
      %dma_start3A_489 = arith.constant 0 : i32
      %dma_start3A_490 = tpu.memref_slice %arg7[%dma_start3A_479, %dma_start3A_488, %dma_start3A_489] : memref<4x128x32xf32, #tpu.memory_space<vmem>> -> memref<1x128x32xf32, #tpu.memory_space<vmem>>
      %dma_start3A_491 = tpu.memref_squeeze %dma_start3A_490 : memref<1x128x32xf32, #tpu.memory_space<vmem>> -> memref<128x32xf32, #tpu.memory_space<vmem>>
      tpu.enqueue_dma source(%dma_start3A_491 : memref<128x32xf32, #tpu.memory_space<vmem>>) target(%dma_start3A_487 : memref<128x32xf32, #tpu.memory_space<hbm>>) target_semaphore(%arg11 : memref<!tpu.dma_semaphore, #tpu.memory_space<semaphore_mem>>)
      %mul3A_492 = arith.constant 4 : i32
      %mul3A_493 = arith.muli %add3A_431, %mul3A_492 : i32
      %add3A_494 = arith.constant 3 : i32
      %add3A_495 = arith.addi %mul3A_493, %add3A_494 : i32
      %mul3A_496 = arith.constant 128 : i32
      %mul3A_497 = arith.muli %add3A_495, %mul3A_496 : i32
      %add3A_498 = arith.addi %mul3A_4, %mul3A_497 : i32
      %dma_start3A_499 = arith.constant 3 : i32
      %dma_start3A_500 = arith.constant 0 : i32
      %dma_start3A_501 = arith.constant 0 : i32
      %dma_start3A_502 = tpu.memref_slice %arg7[%dma_start3A_499, %dma_start3A_500, %dma_start3A_501] : memref<4x128x32xf32, #tpu.memory_space<vmem>> -> memref<1x128x32xf32, #tpu.memory_space<vmem>>
      %dma_start3A_503 = tpu.memref_squeeze %dma_start3A_502 : memref<1x128x32xf32, #tpu.memory_space<vmem>> -> memref<128x32xf32, #tpu.memory_space<vmem>>
      %dma_start3A_504 = arith.constant 0 : i32
      %dma_start3A_505 = tpu.memref_slice %arg4[%add3A_498, %dma_start3A_504] : memref<425984x32xf32, #tpu.memory_space<hbm>> -> memref<128x32xf32, #tpu.memory_space<hbm>>
      %dma_start3A_506 = arith.constant 0 : i32
      %dma_start3A_507 = tpu.memref_slice %arg4[%add3A_498, %dma_start3A_506] : memref<425984x32xf32, #tpu.memory_space<hbm>> -> memref<128x32xf32, #tpu.memory_space<hbm>>
      %dma_start3A_508 = arith.constant 0 : i32
      %dma_start3A_509 = arith.constant 0 : i32
      %dma_start3A_510 = tpu.memref_slice %arg7[%dma_start3A_499, %dma_start3A_508, %dma_start3A_509] : memref<4x128x32xf32, #tpu.memory_space<vmem>> -> memref<1x128x32xf32, #tpu.memory_space<vmem>>
      %dma_start3A_511 = tpu.memref_squeeze %dma_start3A_510 : memref<1x128x32xf32, #tpu.memory_space<vmem>> -> memref<128x32xf32, #tpu.memory_space<vmem>>
      tpu.enqueue_dma source(%dma_start3A_511 : memref<128x32xf32, #tpu.memory_space<vmem>>) target(%dma_start3A_507 : memref<128x32xf32, #tpu.memory_space<hbm>>) target_semaphore(%arg11 : memref<!tpu.dma_semaphore, #tpu.memory_space<semaphore_mem>>)
    }
    %scan3A_55 = arith.constant 13 : i32
    %dma_wait3A = arith.constant 0 : i32
    %dma_wait3A_56 = arith.constant 0 : i32
    %dma_wait3A_57 = arith.constant 0 : i32
    %dma_wait3A_58 = tpu.memref_slice %arg7[%dma_wait3A, %dma_wait3A_56, %dma_wait3A_57] : memref<4x128x32xf32, #tpu.memory_space<vmem>> -> memref<1x128x32xf32, #tpu.memory_space<vmem>>
    %dma_wait3A_59 = tpu.memref_squeeze %dma_wait3A_58 : memref<1x128x32xf32, #tpu.memory_space<vmem>> -> memref<128x32xf32, #tpu.memory_space<vmem>>
    %dma_wait3A_60 = arith.constant 0 : i32
    %dma_wait3A_61 = arith.constant 0 : i32
    %dma_wait3A_62 = tpu.memref_slice %arg4[%dma_wait3A_60, %dma_wait3A_61] : memref<425984x32xf32, #tpu.memory_space<hbm>> -> memref<128x32xf32, #tpu.memory_space<hbm>>
    %dma_wait3A_63 = arith.constant 0 : i32
    %dma_wait3A_64 = arith.constant 0 : i32
    %dma_wait3A_65 = tpu.memref_slice %arg4[%dma_wait3A_63, %dma_wait3A_64] : memref<425984x32xf32, #tpu.memory_space<hbm>> -> memref<128x32xf32, #tpu.memory_space<hbm>>
    %dma_wait3A_66 = arith.constant 0 : i32
    %dma_wait3A_67 = arith.constant 0 : i32
    %dma_wait3A_68 = tpu.memref_slice %arg7[%dma_wait3A, %dma_wait3A_66, %dma_wait3A_67] : memref<4x128x32xf32, #tpu.memory_space<vmem>> -> memref<1x128x32xf32, #tpu.memory_space<vmem>>
    %dma_wait3A_69 = tpu.memref_squeeze %dma_wait3A_68 : memref<1x128x32xf32, #tpu.memory_space<vmem>> -> memref<128x32xf32, #tpu.memory_space<vmem>>
    tpu.wait_dma2 semaphore(%arg11 : memref<!tpu.dma_semaphore, #tpu.memory_space<semaphore_mem>>) src(%dma_wait3A_69 : memref<128x32xf32, #tpu.memory_space<vmem>>) dst(%dma_wait3A_65 : memref<128x32xf32, #tpu.memory_space<hbm>>)
    %dma_wait3A_70 = arith.constant 1 : i32
    %dma_wait3A_71 = arith.constant 0 : i32
    %dma_wait3A_72 = arith.constant 0 : i32
    %dma_wait3A_73 = tpu.memref_slice %arg7[%dma_wait3A_70, %dma_wait3A_71, %dma_wait3A_72] : memref<4x128x32xf32, #tpu.memory_space<vmem>> -> memref<1x128x32xf32, #tpu.memory_space<vmem>>
    %dma_wait3A_74 = tpu.memref_squeeze %dma_wait3A_73 : memref<1x128x32xf32, #tpu.memory_space<vmem>> -> memref<128x32xf32, #tpu.memory_space<vmem>>
    %dma_wait3A_75 = arith.constant 0 : i32
    %dma_wait3A_76 = arith.constant 0 : i32
    %dma_wait3A_77 = tpu.memref_slice %arg4[%dma_wait3A_75, %dma_wait3A_76] : memref<425984x32xf32, #tpu.memory_space<hbm>> -> memref<128x32xf32, #tpu.memory_space<hbm>>
    %dma_wait3A_78 = arith.constant 0 : i32
    %dma_wait3A_79 = arith.constant 0 : i32
    %dma_wait3A_80 = tpu.memref_slice %arg4[%dma_wait3A_78, %dma_wait3A_79] : memref<425984x32xf32, #tpu.memory_space<hbm>> -> memref<128x32xf32, #tpu.memory_space<hbm>>
    %dma_wait3A_81 = arith.constant 0 : i32
    %dma_wait3A_82 = arith.constant 0 : i32
    %dma_wait3A_83 = tpu.memref_slice %arg7[%dma_wait3A_70, %dma_wait3A_81, %dma_wait3A_82] : memref<4x128x32xf32, #tpu.memory_space<vmem>> -> memref<1x128x32xf32, #tpu.memory_space<vmem>>
    %dma_wait3A_84 = tpu.memref_squeeze %dma_wait3A_83 : memref<1x128x32xf32, #tpu.memory_space<vmem>> -> memref<128x32xf32, #tpu.memory_space<vmem>>
    tpu.wait_dma2 semaphore(%arg11 : memref<!tpu.dma_semaphore, #tpu.memory_space<semaphore_mem>>) src(%dma_wait3A_84 : memref<128x32xf32, #tpu.memory_space<vmem>>) dst(%dma_wait3A_80 : memref<128x32xf32, #tpu.memory_space<hbm>>)
    %dma_wait3A_85 = arith.constant 2 : i32
    %dma_wait3A_86 = arith.constant 0 : i32
    %dma_wait3A_87 = arith.constant 0 : i32
    %dma_wait3A_88 = tpu.memref_slice %arg7[%dma_wait3A_85, %dma_wait3A_86, %dma_wait3A_87] : memref<4x128x32xf32, #tpu.memory_space<vmem>> -> memref<1x128x32xf32, #tpu.memory_space<vmem>>
    %dma_wait3A_89 = tpu.memref_squeeze %dma_wait3A_88 : memref<1x128x32xf32, #tpu.memory_space<vmem>> -> memref<128x32xf32, #tpu.memory_space<vmem>>
    %dma_wait3A_90 = arith.constant 0 : i32
    %dma_wait3A_91 = arith.constant 0 : i32
    %dma_wait3A_92 = tpu.memref_slice %arg4[%dma_wait3A_90, %dma_wait3A_91] : memref<425984x32xf32, #tpu.memory_space<hbm>> -> memref<128x32xf32, #tpu.memory_space<hbm>>
    %dma_wait3A_93 = arith.constant 0 : i32
    %dma_wait3A_94 = arith.constant 0 : i32
    %dma_wait3A_95 = tpu.memref_slice %arg4[%dma_wait3A_93, %dma_wait3A_94] : memref<425984x32xf32, #tpu.memory_space<hbm>> -> memref<128x32xf32, #tpu.memory_space<hbm>>
    %dma_wait3A_96 = arith.constant 0 : i32
    %dma_wait3A_97 = arith.constant 0 : i32
    %dma_wait3A_98 = tpu.memref_slice %arg7[%dma_wait3A_85, %dma_wait3A_96, %dma_wait3A_97] : memref<4x128x32xf32, #tpu.memory_space<vmem>> -> memref<1x128x32xf32, #tpu.memory_space<vmem>>
    %dma_wait3A_99 = tpu.memref_squeeze %dma_wait3A_98 : memref<1x128x32xf32, #tpu.memory_space<vmem>> -> memref<128x32xf32, #tpu.memory_space<vmem>>
    tpu.wait_dma2 semaphore(%arg11 : memref<!tpu.dma_semaphore, #tpu.memory_space<semaphore_mem>>) src(%dma_wait3A_99 : memref<128x32xf32, #tpu.memory_space<vmem>>) dst(%dma_wait3A_95 : memref<128x32xf32, #tpu.memory_space<hbm>>)
    %dma_wait3A_100 = arith.constant 3 : i32
    %dma_wait3A_101 = arith.constant 0 : i32
    %dma_wait3A_102 = arith.constant 0 : i32
    %dma_wait3A_103 = tpu.memref_slice %arg7[%dma_wait3A_100, %dma_wait3A_101, %dma_wait3A_102] : memref<4x128x32xf32, #tpu.memory_space<vmem>> -> memref<1x128x32xf32, #tpu.memory_space<vmem>>
    %dma_wait3A_104 = tpu.memref_squeeze %dma_wait3A_103 : memref<1x128x32xf32, #tpu.memory_space<vmem>> -> memref<128x32xf32, #tpu.memory_space<vmem>>
    %dma_wait3A_105 = arith.constant 0 : i32
    %dma_wait3A_106 = arith.constant 0 : i32
    %dma_wait3A_107 = tpu.memref_slice %arg4[%dma_wait3A_105, %dma_wait3A_106] : memref<425984x32xf32, #tpu.memory_space<hbm>> -> memref<128x32xf32, #tpu.memory_space<hbm>>
    %dma_wait3A_108 = arith.constant 0 : i32
    %dma_wait3A_109 = arith.constant 0 : i32
    %dma_wait3A_110 = tpu.memref_slice %arg4[%dma_wait3A_108, %dma_wait3A_109] : memref<425984x32xf32, #tpu.memory_space<hbm>> -> memref<128x32xf32, #tpu.memory_space<hbm>>
    %dma_wait3A_111 = arith.constant 0 : i32
    %dma_wait3A_112 = arith.constant 0 : i32
    %dma_wait3A_113 = tpu.memref_slice %arg7[%dma_wait3A_100, %dma_wait3A_111, %dma_wait3A_112] : memref<4x128x32xf32, #tpu.memory_space<vmem>> -> memref<1x128x32xf32, #tpu.memory_space<vmem>>
    %dma_wait3A_114 = tpu.memref_squeeze %dma_wait3A_113 : memref<1x128x32xf32, #tpu.memory_space<vmem>> -> memref<128x32xf32, #tpu.memory_space<vmem>>
    tpu.wait_dma2 semaphore(%arg11 : memref<!tpu.dma_semaphore, #tpu.memory_space<semaphore_mem>>) src(%dma_wait3A_114 : memref<128x32xf32, #tpu.memory_space<vmem>>) dst(%dma_wait3A_110 : memref<128x32xf32, #tpu.memory_space<hbm>>)
    return
  }
}

module attributes {stable_mosaic.version = 14 : i64} {
  func.func @body(%arg0: i32, %arg1: memref<26x512x32xf32, #tpu.memory_space<vmem>>, %arg2: memref<26x32x5xf32, #tpu.memory_space<vmem>>, %arg3: memref<1x5xf32, #tpu.memory_space<vmem>>, %arg4: memref<512x5xf32, #tpu.memory_space<vmem>>) attributes {dimension_semantics = [#tpu.dimension_semantics<parallel>], iteration_bounds = array<i64: 32>, scalar_prefetch = 0 : i64, scratch_operands = 0 : i64, tpu.core_type = #tpu.core_type<tc>, window_params = [{transform_indices = @transform_0, window_bounds = array<i64: 26, 512, 32>}, {pipeline_mode = #tpu.pipeline_mode<synchronous>, transform_indices = @transform_1, window_bounds = array<i64: 26, 32, 5>}, {pipeline_mode = #tpu.pipeline_mode<synchronous>, transform_indices = @transform_2, window_bounds = array<i64: 1, 5>}, {transform_indices = @transform_3, window_bounds = array<i64: 512, 5>}]} {
    %broadcast_in_dim3A = arith.constant 0.000000e+00 : f32
    %broadcast_in_dim3A_0 = vector.broadcast %broadcast_in_dim3A : f32 to vector<512x5xf32>
    %get3A = arith.constant 0 : index
    %get3A_1 = arith.constant 0 : index
    %get3A_2 = arith.constant 0 : index
    %get3A_3 = vector.load %arg1[%get3A, %get3A_1, %get3A_2] : memref<26x512x32xf32, #tpu.memory_space<vmem>>, vector<1x512x32xf32>
    %get3A_4 = vector.shape_cast %get3A_3 : vector<1x512x32xf32> to vector<512x32xf32>
    %get3A_5 = arith.constant 0 : index
    %get3A_6 = arith.constant 0 : index
    %get3A_7 = arith.constant 0 : index
    %get3A_8 = vector.load %arg2[%get3A_5, %get3A_6, %get3A_7] : memref<26x32x5xf32, #tpu.memory_space<vmem>>, vector<1x32x5xf32>
    %get3A_9 = vector.shape_cast %get3A_8 : vector<1x32x5xf32> to vector<32x5xf32>
    %dot_general3A = arith.constant dense<0.000000e+00> : vector<512x5xf32>
    %dot_general3A_10 = tpu.matmul %get3A_4, %get3A_9, %dot_general3A {dimension_numbers = #tpu.dot_dimension_numbers<[1], [0], [0], [1], [0, 0, 1, 1], [], []>, precision = #tpu.contract_precision<fp32>, transpose_lhs_hint = false} : vector<512x32xf32>, vector<32x5xf32>, vector<512x5xf32> -> vector<512x5xf32>
    %add3A = arith.addf %broadcast_in_dim3A_0, %dot_general3A_10 : vector<512x5xf32>
    %get3A_11 = arith.constant 1 : index
    %get3A_12 = arith.constant 0 : index
    %get3A_13 = arith.constant 0 : index
    %get3A_14 = vector.load %arg1[%get3A_11, %get3A_12, %get3A_13] : memref<26x512x32xf32, #tpu.memory_space<vmem>>, vector<1x512x32xf32>
    %get3A_15 = vector.shape_cast %get3A_14 : vector<1x512x32xf32> to vector<512x32xf32>
    %get3A_16 = arith.constant 1 : index
    %get3A_17 = arith.constant 0 : index
    %get3A_18 = arith.constant 0 : index
    %get3A_19 = vector.load %arg2[%get3A_16, %get3A_17, %get3A_18] : memref<26x32x5xf32, #tpu.memory_space<vmem>>, vector<1x32x5xf32>
    %get3A_20 = vector.shape_cast %get3A_19 : vector<1x32x5xf32> to vector<32x5xf32>
    %dot_general3A_21 = arith.constant dense<0.000000e+00> : vector<512x5xf32>
    %dot_general3A_22 = tpu.matmul %get3A_15, %get3A_20, %dot_general3A_21 {dimension_numbers = #tpu.dot_dimension_numbers<[1], [0], [0], [1], [0, 0, 1, 1], [], []>, precision = #tpu.contract_precision<fp32>, transpose_lhs_hint = false} : vector<512x32xf32>, vector<32x5xf32>, vector<512x5xf32> -> vector<512x5xf32>
    %add3A_23 = arith.addf %add3A, %dot_general3A_22 : vector<512x5xf32>
    %get3A_24 = arith.constant 2 : index
    %get3A_25 = arith.constant 0 : index
    %get3A_26 = arith.constant 0 : index
    %get3A_27 = vector.load %arg1[%get3A_24, %get3A_25, %get3A_26] : memref<26x512x32xf32, #tpu.memory_space<vmem>>, vector<1x512x32xf32>
    %get3A_28 = vector.shape_cast %get3A_27 : vector<1x512x32xf32> to vector<512x32xf32>
    %get3A_29 = arith.constant 2 : index
    %get3A_30 = arith.constant 0 : index
    %get3A_31 = arith.constant 0 : index
    %get3A_32 = vector.load %arg2[%get3A_29, %get3A_30, %get3A_31] : memref<26x32x5xf32, #tpu.memory_space<vmem>>, vector<1x32x5xf32>
    %get3A_33 = vector.shape_cast %get3A_32 : vector<1x32x5xf32> to vector<32x5xf32>
    %dot_general3A_34 = arith.constant dense<0.000000e+00> : vector<512x5xf32>
    %dot_general3A_35 = tpu.matmul %get3A_28, %get3A_33, %dot_general3A_34 {dimension_numbers = #tpu.dot_dimension_numbers<[1], [0], [0], [1], [0, 0, 1, 1], [], []>, precision = #tpu.contract_precision<fp32>, transpose_lhs_hint = false} : vector<512x32xf32>, vector<32x5xf32>, vector<512x5xf32> -> vector<512x5xf32>
    %add3A_36 = arith.addf %add3A_23, %dot_general3A_35 : vector<512x5xf32>
    %get3A_37 = arith.constant 3 : index
    %get3A_38 = arith.constant 0 : index
    %get3A_39 = arith.constant 0 : index
    %get3A_40 = vector.load %arg1[%get3A_37, %get3A_38, %get3A_39] : memref<26x512x32xf32, #tpu.memory_space<vmem>>, vector<1x512x32xf32>
    %get3A_41 = vector.shape_cast %get3A_40 : vector<1x512x32xf32> to vector<512x32xf32>
    %get3A_42 = arith.constant 3 : index
    %get3A_43 = arith.constant 0 : index
    %get3A_44 = arith.constant 0 : index
    %get3A_45 = vector.load %arg2[%get3A_42, %get3A_43, %get3A_44] : memref<26x32x5xf32, #tpu.memory_space<vmem>>, vector<1x32x5xf32>
    %get3A_46 = vector.shape_cast %get3A_45 : vector<1x32x5xf32> to vector<32x5xf32>
    %dot_general3A_47 = arith.constant dense<0.000000e+00> : vector<512x5xf32>
    %dot_general3A_48 = tpu.matmul %get3A_41, %get3A_46, %dot_general3A_47 {dimension_numbers = #tpu.dot_dimension_numbers<[1], [0], [0], [1], [0, 0, 1, 1], [], []>, precision = #tpu.contract_precision<fp32>, transpose_lhs_hint = false} : vector<512x32xf32>, vector<32x5xf32>, vector<512x5xf32> -> vector<512x5xf32>
    %add3A_49 = arith.addf %add3A_36, %dot_general3A_48 : vector<512x5xf32>
    %get3A_50 = arith.constant 4 : index
    %get3A_51 = arith.constant 0 : index
    %get3A_52 = arith.constant 0 : index
    %get3A_53 = vector.load %arg1[%get3A_50, %get3A_51, %get3A_52] : memref<26x512x32xf32, #tpu.memory_space<vmem>>, vector<1x512x32xf32>
    %get3A_54 = vector.shape_cast %get3A_53 : vector<1x512x32xf32> to vector<512x32xf32>
    %get3A_55 = arith.constant 4 : index
    %get3A_56 = arith.constant 0 : index
    %get3A_57 = arith.constant 0 : index
    %get3A_58 = vector.load %arg2[%get3A_55, %get3A_56, %get3A_57] : memref<26x32x5xf32, #tpu.memory_space<vmem>>, vector<1x32x5xf32>
    %get3A_59 = vector.shape_cast %get3A_58 : vector<1x32x5xf32> to vector<32x5xf32>
    %dot_general3A_60 = arith.constant dense<0.000000e+00> : vector<512x5xf32>
    %dot_general3A_61 = tpu.matmul %get3A_54, %get3A_59, %dot_general3A_60 {dimension_numbers = #tpu.dot_dimension_numbers<[1], [0], [0], [1], [0, 0, 1, 1], [], []>, precision = #tpu.contract_precision<fp32>, transpose_lhs_hint = false} : vector<512x32xf32>, vector<32x5xf32>, vector<512x5xf32> -> vector<512x5xf32>
    %add3A_62 = arith.addf %add3A_49, %dot_general3A_61 : vector<512x5xf32>
    %get3A_63 = arith.constant 5 : index
    %get3A_64 = arith.constant 0 : index
    %get3A_65 = arith.constant 0 : index
    %get3A_66 = vector.load %arg1[%get3A_63, %get3A_64, %get3A_65] : memref<26x512x32xf32, #tpu.memory_space<vmem>>, vector<1x512x32xf32>
    %get3A_67 = vector.shape_cast %get3A_66 : vector<1x512x32xf32> to vector<512x32xf32>
    %get3A_68 = arith.constant 5 : index
    %get3A_69 = arith.constant 0 : index
    %get3A_70 = arith.constant 0 : index
    %get3A_71 = vector.load %arg2[%get3A_68, %get3A_69, %get3A_70] : memref<26x32x5xf32, #tpu.memory_space<vmem>>, vector<1x32x5xf32>
    %get3A_72 = vector.shape_cast %get3A_71 : vector<1x32x5xf32> to vector<32x5xf32>
    %dot_general3A_73 = arith.constant dense<0.000000e+00> : vector<512x5xf32>
    %dot_general3A_74 = tpu.matmul %get3A_67, %get3A_72, %dot_general3A_73 {dimension_numbers = #tpu.dot_dimension_numbers<[1], [0], [0], [1], [0, 0, 1, 1], [], []>, precision = #tpu.contract_precision<fp32>, transpose_lhs_hint = false} : vector<512x32xf32>, vector<32x5xf32>, vector<512x5xf32> -> vector<512x5xf32>
    %add3A_75 = arith.addf %add3A_62, %dot_general3A_74 : vector<512x5xf32>
    %get3A_76 = arith.constant 6 : index
    %get3A_77 = arith.constant 0 : index
    %get3A_78 = arith.constant 0 : index
    %get3A_79 = vector.load %arg1[%get3A_76, %get3A_77, %get3A_78] : memref<26x512x32xf32, #tpu.memory_space<vmem>>, vector<1x512x32xf32>
    %get3A_80 = vector.shape_cast %get3A_79 : vector<1x512x32xf32> to vector<512x32xf32>
    %get3A_81 = arith.constant 6 : index
    %get3A_82 = arith.constant 0 : index
    %get3A_83 = arith.constant 0 : index
    %get3A_84 = vector.load %arg2[%get3A_81, %get3A_82, %get3A_83] : memref<26x32x5xf32, #tpu.memory_space<vmem>>, vector<1x32x5xf32>
    %get3A_85 = vector.shape_cast %get3A_84 : vector<1x32x5xf32> to vector<32x5xf32>
    %dot_general3A_86 = arith.constant dense<0.000000e+00> : vector<512x5xf32>
    %dot_general3A_87 = tpu.matmul %get3A_80, %get3A_85, %dot_general3A_86 {dimension_numbers = #tpu.dot_dimension_numbers<[1], [0], [0], [1], [0, 0, 1, 1], [], []>, precision = #tpu.contract_precision<fp32>, transpose_lhs_hint = false} : vector<512x32xf32>, vector<32x5xf32>, vector<512x5xf32> -> vector<512x5xf32>
    %add3A_88 = arith.addf %add3A_75, %dot_general3A_87 : vector<512x5xf32>
    %get3A_89 = arith.constant 7 : index
    %get3A_90 = arith.constant 0 : index
    %get3A_91 = arith.constant 0 : index
    %get3A_92 = vector.load %arg1[%get3A_89, %get3A_90, %get3A_91] : memref<26x512x32xf32, #tpu.memory_space<vmem>>, vector<1x512x32xf32>
    %get3A_93 = vector.shape_cast %get3A_92 : vector<1x512x32xf32> to vector<512x32xf32>
    %get3A_94 = arith.constant 7 : index
    %get3A_95 = arith.constant 0 : index
    %get3A_96 = arith.constant 0 : index
    %get3A_97 = vector.load %arg2[%get3A_94, %get3A_95, %get3A_96] : memref<26x32x5xf32, #tpu.memory_space<vmem>>, vector<1x32x5xf32>
    %get3A_98 = vector.shape_cast %get3A_97 : vector<1x32x5xf32> to vector<32x5xf32>
    %dot_general3A_99 = arith.constant dense<0.000000e+00> : vector<512x5xf32>
    %dot_general3A_100 = tpu.matmul %get3A_93, %get3A_98, %dot_general3A_99 {dimension_numbers = #tpu.dot_dimension_numbers<[1], [0], [0], [1], [0, 0, 1, 1], [], []>, precision = #tpu.contract_precision<fp32>, transpose_lhs_hint = false} : vector<512x32xf32>, vector<32x5xf32>, vector<512x5xf32> -> vector<512x5xf32>
    %add3A_101 = arith.addf %add3A_88, %dot_general3A_100 : vector<512x5xf32>
    %get3A_102 = arith.constant 8 : index
    %get3A_103 = arith.constant 0 : index
    %get3A_104 = arith.constant 0 : index
    %get3A_105 = vector.load %arg1[%get3A_102, %get3A_103, %get3A_104] : memref<26x512x32xf32, #tpu.memory_space<vmem>>, vector<1x512x32xf32>
    %get3A_106 = vector.shape_cast %get3A_105 : vector<1x512x32xf32> to vector<512x32xf32>
    %get3A_107 = arith.constant 8 : index
    %get3A_108 = arith.constant 0 : index
    %get3A_109 = arith.constant 0 : index
    %get3A_110 = vector.load %arg2[%get3A_107, %get3A_108, %get3A_109] : memref<26x32x5xf32, #tpu.memory_space<vmem>>, vector<1x32x5xf32>
    %get3A_111 = vector.shape_cast %get3A_110 : vector<1x32x5xf32> to vector<32x5xf32>
    %dot_general3A_112 = arith.constant dense<0.000000e+00> : vector<512x5xf32>
    %dot_general3A_113 = tpu.matmul %get3A_106, %get3A_111, %dot_general3A_112 {dimension_numbers = #tpu.dot_dimension_numbers<[1], [0], [0], [1], [0, 0, 1, 1], [], []>, precision = #tpu.contract_precision<fp32>, transpose_lhs_hint = false} : vector<512x32xf32>, vector<32x5xf32>, vector<512x5xf32> -> vector<512x5xf32>
    %add3A_114 = arith.addf %add3A_101, %dot_general3A_113 : vector<512x5xf32>
    %get3A_115 = arith.constant 9 : index
    %get3A_116 = arith.constant 0 : index
    %get3A_117 = arith.constant 0 : index
    %get3A_118 = vector.load %arg1[%get3A_115, %get3A_116, %get3A_117] : memref<26x512x32xf32, #tpu.memory_space<vmem>>, vector<1x512x32xf32>
    %get3A_119 = vector.shape_cast %get3A_118 : vector<1x512x32xf32> to vector<512x32xf32>
    %get3A_120 = arith.constant 9 : index
    %get3A_121 = arith.constant 0 : index
    %get3A_122 = arith.constant 0 : index
    %get3A_123 = vector.load %arg2[%get3A_120, %get3A_121, %get3A_122] : memref<26x32x5xf32, #tpu.memory_space<vmem>>, vector<1x32x5xf32>
    %get3A_124 = vector.shape_cast %get3A_123 : vector<1x32x5xf32> to vector<32x5xf32>
    %dot_general3A_125 = arith.constant dense<0.000000e+00> : vector<512x5xf32>
    %dot_general3A_126 = tpu.matmul %get3A_119, %get3A_124, %dot_general3A_125 {dimension_numbers = #tpu.dot_dimension_numbers<[1], [0], [0], [1], [0, 0, 1, 1], [], []>, precision = #tpu.contract_precision<fp32>, transpose_lhs_hint = false} : vector<512x32xf32>, vector<32x5xf32>, vector<512x5xf32> -> vector<512x5xf32>
    %add3A_127 = arith.addf %add3A_114, %dot_general3A_126 : vector<512x5xf32>
    %get3A_128 = arith.constant 10 : index
    %get3A_129 = arith.constant 0 : index
    %get3A_130 = arith.constant 0 : index
    %get3A_131 = vector.load %arg1[%get3A_128, %get3A_129, %get3A_130] : memref<26x512x32xf32, #tpu.memory_space<vmem>>, vector<1x512x32xf32>
    %get3A_132 = vector.shape_cast %get3A_131 : vector<1x512x32xf32> to vector<512x32xf32>
    %get3A_133 = arith.constant 10 : index
    %get3A_134 = arith.constant 0 : index
    %get3A_135 = arith.constant 0 : index
    %get3A_136 = vector.load %arg2[%get3A_133, %get3A_134, %get3A_135] : memref<26x32x5xf32, #tpu.memory_space<vmem>>, vector<1x32x5xf32>
    %get3A_137 = vector.shape_cast %get3A_136 : vector<1x32x5xf32> to vector<32x5xf32>
    %dot_general3A_138 = arith.constant dense<0.000000e+00> : vector<512x5xf32>
    %dot_general3A_139 = tpu.matmul %get3A_132, %get3A_137, %dot_general3A_138 {dimension_numbers = #tpu.dot_dimension_numbers<[1], [0], [0], [1], [0, 0, 1, 1], [], []>, precision = #tpu.contract_precision<fp32>, transpose_lhs_hint = false} : vector<512x32xf32>, vector<32x5xf32>, vector<512x5xf32> -> vector<512x5xf32>
    %add3A_140 = arith.addf %add3A_127, %dot_general3A_139 : vector<512x5xf32>
    %get3A_141 = arith.constant 11 : index
    %get3A_142 = arith.constant 0 : index
    %get3A_143 = arith.constant 0 : index
    %get3A_144 = vector.load %arg1[%get3A_141, %get3A_142, %get3A_143] : memref<26x512x32xf32, #tpu.memory_space<vmem>>, vector<1x512x32xf32>
    %get3A_145 = vector.shape_cast %get3A_144 : vector<1x512x32xf32> to vector<512x32xf32>
    %get3A_146 = arith.constant 11 : index
    %get3A_147 = arith.constant 0 : index
    %get3A_148 = arith.constant 0 : index
    %get3A_149 = vector.load %arg2[%get3A_146, %get3A_147, %get3A_148] : memref<26x32x5xf32, #tpu.memory_space<vmem>>, vector<1x32x5xf32>
    %get3A_150 = vector.shape_cast %get3A_149 : vector<1x32x5xf32> to vector<32x5xf32>
    %dot_general3A_151 = arith.constant dense<0.000000e+00> : vector<512x5xf32>
    %dot_general3A_152 = tpu.matmul %get3A_145, %get3A_150, %dot_general3A_151 {dimension_numbers = #tpu.dot_dimension_numbers<[1], [0], [0], [1], [0, 0, 1, 1], [], []>, precision = #tpu.contract_precision<fp32>, transpose_lhs_hint = false} : vector<512x32xf32>, vector<32x5xf32>, vector<512x5xf32> -> vector<512x5xf32>
    %add3A_153 = arith.addf %add3A_140, %dot_general3A_152 : vector<512x5xf32>
    %get3A_154 = arith.constant 12 : index
    %get3A_155 = arith.constant 0 : index
    %get3A_156 = arith.constant 0 : index
    %get3A_157 = vector.load %arg1[%get3A_154, %get3A_155, %get3A_156] : memref<26x512x32xf32, #tpu.memory_space<vmem>>, vector<1x512x32xf32>
    %get3A_158 = vector.shape_cast %get3A_157 : vector<1x512x32xf32> to vector<512x32xf32>
    %get3A_159 = arith.constant 12 : index
    %get3A_160 = arith.constant 0 : index
    %get3A_161 = arith.constant 0 : index
    %get3A_162 = vector.load %arg2[%get3A_159, %get3A_160, %get3A_161] : memref<26x32x5xf32, #tpu.memory_space<vmem>>, vector<1x32x5xf32>
    %get3A_163 = vector.shape_cast %get3A_162 : vector<1x32x5xf32> to vector<32x5xf32>
    %dot_general3A_164 = arith.constant dense<0.000000e+00> : vector<512x5xf32>
    %dot_general3A_165 = tpu.matmul %get3A_158, %get3A_163, %dot_general3A_164 {dimension_numbers = #tpu.dot_dimension_numbers<[1], [0], [0], [1], [0, 0, 1, 1], [], []>, precision = #tpu.contract_precision<fp32>, transpose_lhs_hint = false} : vector<512x32xf32>, vector<32x5xf32>, vector<512x5xf32> -> vector<512x5xf32>
    %add3A_166 = arith.addf %add3A_153, %dot_general3A_165 : vector<512x5xf32>
    %get3A_167 = arith.constant 13 : index
    %get3A_168 = arith.constant 0 : index
    %get3A_169 = arith.constant 0 : index
    %get3A_170 = vector.load %arg1[%get3A_167, %get3A_168, %get3A_169] : memref<26x512x32xf32, #tpu.memory_space<vmem>>, vector<1x512x32xf32>
    %get3A_171 = vector.shape_cast %get3A_170 : vector<1x512x32xf32> to vector<512x32xf32>
    %get3A_172 = arith.constant 13 : index
    %get3A_173 = arith.constant 0 : index
    %get3A_174 = arith.constant 0 : index
    %get3A_175 = vector.load %arg2[%get3A_172, %get3A_173, %get3A_174] : memref<26x32x5xf32, #tpu.memory_space<vmem>>, vector<1x32x5xf32>
    %get3A_176 = vector.shape_cast %get3A_175 : vector<1x32x5xf32> to vector<32x5xf32>
    %dot_general3A_177 = arith.constant dense<0.000000e+00> : vector<512x5xf32>
    %dot_general3A_178 = tpu.matmul %get3A_171, %get3A_176, %dot_general3A_177 {dimension_numbers = #tpu.dot_dimension_numbers<[1], [0], [0], [1], [0, 0, 1, 1], [], []>, precision = #tpu.contract_precision<fp32>, transpose_lhs_hint = false} : vector<512x32xf32>, vector<32x5xf32>, vector<512x5xf32> -> vector<512x5xf32>
    %add3A_179 = arith.addf %add3A_166, %dot_general3A_178 : vector<512x5xf32>
    %get3A_180 = arith.constant 14 : index
    %get3A_181 = arith.constant 0 : index
    %get3A_182 = arith.constant 0 : index
    %get3A_183 = vector.load %arg1[%get3A_180, %get3A_181, %get3A_182] : memref<26x512x32xf32, #tpu.memory_space<vmem>>, vector<1x512x32xf32>
    %get3A_184 = vector.shape_cast %get3A_183 : vector<1x512x32xf32> to vector<512x32xf32>
    %get3A_185 = arith.constant 14 : index
    %get3A_186 = arith.constant 0 : index
    %get3A_187 = arith.constant 0 : index
    %get3A_188 = vector.load %arg2[%get3A_185, %get3A_186, %get3A_187] : memref<26x32x5xf32, #tpu.memory_space<vmem>>, vector<1x32x5xf32>
    %get3A_189 = vector.shape_cast %get3A_188 : vector<1x32x5xf32> to vector<32x5xf32>
    %dot_general3A_190 = arith.constant dense<0.000000e+00> : vector<512x5xf32>
    %dot_general3A_191 = tpu.matmul %get3A_184, %get3A_189, %dot_general3A_190 {dimension_numbers = #tpu.dot_dimension_numbers<[1], [0], [0], [1], [0, 0, 1, 1], [], []>, precision = #tpu.contract_precision<fp32>, transpose_lhs_hint = false} : vector<512x32xf32>, vector<32x5xf32>, vector<512x5xf32> -> vector<512x5xf32>
    %add3A_192 = arith.addf %add3A_179, %dot_general3A_191 : vector<512x5xf32>
    %get3A_193 = arith.constant 15 : index
    %get3A_194 = arith.constant 0 : index
    %get3A_195 = arith.constant 0 : index
    %get3A_196 = vector.load %arg1[%get3A_193, %get3A_194, %get3A_195] : memref<26x512x32xf32, #tpu.memory_space<vmem>>, vector<1x512x32xf32>
    %get3A_197 = vector.shape_cast %get3A_196 : vector<1x512x32xf32> to vector<512x32xf32>
    %get3A_198 = arith.constant 15 : index
    %get3A_199 = arith.constant 0 : index
    %get3A_200 = arith.constant 0 : index
    %get3A_201 = vector.load %arg2[%get3A_198, %get3A_199, %get3A_200] : memref<26x32x5xf32, #tpu.memory_space<vmem>>, vector<1x32x5xf32>
    %get3A_202 = vector.shape_cast %get3A_201 : vector<1x32x5xf32> to vector<32x5xf32>
    %dot_general3A_203 = arith.constant dense<0.000000e+00> : vector<512x5xf32>
    %dot_general3A_204 = tpu.matmul %get3A_197, %get3A_202, %dot_general3A_203 {dimension_numbers = #tpu.dot_dimension_numbers<[1], [0], [0], [1], [0, 0, 1, 1], [], []>, precision = #tpu.contract_precision<fp32>, transpose_lhs_hint = false} : vector<512x32xf32>, vector<32x5xf32>, vector<512x5xf32> -> vector<512x5xf32>
    %add3A_205 = arith.addf %add3A_192, %dot_general3A_204 : vector<512x5xf32>
    %get3A_206 = arith.constant 16 : index
    %get3A_207 = arith.constant 0 : index
    %get3A_208 = arith.constant 0 : index
    %get3A_209 = vector.load %arg1[%get3A_206, %get3A_207, %get3A_208] : memref<26x512x32xf32, #tpu.memory_space<vmem>>, vector<1x512x32xf32>
    %get3A_210 = vector.shape_cast %get3A_209 : vector<1x512x32xf32> to vector<512x32xf32>
    %get3A_211 = arith.constant 16 : index
    %get3A_212 = arith.constant 0 : index
    %get3A_213 = arith.constant 0 : index
    %get3A_214 = vector.load %arg2[%get3A_211, %get3A_212, %get3A_213] : memref<26x32x5xf32, #tpu.memory_space<vmem>>, vector<1x32x5xf32>
    %get3A_215 = vector.shape_cast %get3A_214 : vector<1x32x5xf32> to vector<32x5xf32>
    %dot_general3A_216 = arith.constant dense<0.000000e+00> : vector<512x5xf32>
    %dot_general3A_217 = tpu.matmul %get3A_210, %get3A_215, %dot_general3A_216 {dimension_numbers = #tpu.dot_dimension_numbers<[1], [0], [0], [1], [0, 0, 1, 1], [], []>, precision = #tpu.contract_precision<fp32>, transpose_lhs_hint = false} : vector<512x32xf32>, vector<32x5xf32>, vector<512x5xf32> -> vector<512x5xf32>
    %add3A_218 = arith.addf %add3A_205, %dot_general3A_217 : vector<512x5xf32>
    %get3A_219 = arith.constant 17 : index
    %get3A_220 = arith.constant 0 : index
    %get3A_221 = arith.constant 0 : index
    %get3A_222 = vector.load %arg1[%get3A_219, %get3A_220, %get3A_221] : memref<26x512x32xf32, #tpu.memory_space<vmem>>, vector<1x512x32xf32>
    %get3A_223 = vector.shape_cast %get3A_222 : vector<1x512x32xf32> to vector<512x32xf32>
    %get3A_224 = arith.constant 17 : index
    %get3A_225 = arith.constant 0 : index
    %get3A_226 = arith.constant 0 : index
    %get3A_227 = vector.load %arg2[%get3A_224, %get3A_225, %get3A_226] : memref<26x32x5xf32, #tpu.memory_space<vmem>>, vector<1x32x5xf32>
    %get3A_228 = vector.shape_cast %get3A_227 : vector<1x32x5xf32> to vector<32x5xf32>
    %dot_general3A_229 = arith.constant dense<0.000000e+00> : vector<512x5xf32>
    %dot_general3A_230 = tpu.matmul %get3A_223, %get3A_228, %dot_general3A_229 {dimension_numbers = #tpu.dot_dimension_numbers<[1], [0], [0], [1], [0, 0, 1, 1], [], []>, precision = #tpu.contract_precision<fp32>, transpose_lhs_hint = false} : vector<512x32xf32>, vector<32x5xf32>, vector<512x5xf32> -> vector<512x5xf32>
    %add3A_231 = arith.addf %add3A_218, %dot_general3A_230 : vector<512x5xf32>
    %get3A_232 = arith.constant 18 : index
    %get3A_233 = arith.constant 0 : index
    %get3A_234 = arith.constant 0 : index
    %get3A_235 = vector.load %arg1[%get3A_232, %get3A_233, %get3A_234] : memref<26x512x32xf32, #tpu.memory_space<vmem>>, vector<1x512x32xf32>
    %get3A_236 = vector.shape_cast %get3A_235 : vector<1x512x32xf32> to vector<512x32xf32>
    %get3A_237 = arith.constant 18 : index
    %get3A_238 = arith.constant 0 : index
    %get3A_239 = arith.constant 0 : index
    %get3A_240 = vector.load %arg2[%get3A_237, %get3A_238, %get3A_239] : memref<26x32x5xf32, #tpu.memory_space<vmem>>, vector<1x32x5xf32>
    %get3A_241 = vector.shape_cast %get3A_240 : vector<1x32x5xf32> to vector<32x5xf32>
    %dot_general3A_242 = arith.constant dense<0.000000e+00> : vector<512x5xf32>
    %dot_general3A_243 = tpu.matmul %get3A_236, %get3A_241, %dot_general3A_242 {dimension_numbers = #tpu.dot_dimension_numbers<[1], [0], [0], [1], [0, 0, 1, 1], [], []>, precision = #tpu.contract_precision<fp32>, transpose_lhs_hint = false} : vector<512x32xf32>, vector<32x5xf32>, vector<512x5xf32> -> vector<512x5xf32>
    %add3A_244 = arith.addf %add3A_231, %dot_general3A_243 : vector<512x5xf32>
    %get3A_245 = arith.constant 19 : index
    %get3A_246 = arith.constant 0 : index
    %get3A_247 = arith.constant 0 : index
    %get3A_248 = vector.load %arg1[%get3A_245, %get3A_246, %get3A_247] : memref<26x512x32xf32, #tpu.memory_space<vmem>>, vector<1x512x32xf32>
    %get3A_249 = vector.shape_cast %get3A_248 : vector<1x512x32xf32> to vector<512x32xf32>
    %get3A_250 = arith.constant 19 : index
    %get3A_251 = arith.constant 0 : index
    %get3A_252 = arith.constant 0 : index
    %get3A_253 = vector.load %arg2[%get3A_250, %get3A_251, %get3A_252] : memref<26x32x5xf32, #tpu.memory_space<vmem>>, vector<1x32x5xf32>
    %get3A_254 = vector.shape_cast %get3A_253 : vector<1x32x5xf32> to vector<32x5xf32>
    %dot_general3A_255 = arith.constant dense<0.000000e+00> : vector<512x5xf32>
    %dot_general3A_256 = tpu.matmul %get3A_249, %get3A_254, %dot_general3A_255 {dimension_numbers = #tpu.dot_dimension_numbers<[1], [0], [0], [1], [0, 0, 1, 1], [], []>, precision = #tpu.contract_precision<fp32>, transpose_lhs_hint = false} : vector<512x32xf32>, vector<32x5xf32>, vector<512x5xf32> -> vector<512x5xf32>
    %add3A_257 = arith.addf %add3A_244, %dot_general3A_256 : vector<512x5xf32>
    %get3A_258 = arith.constant 20 : index
    %get3A_259 = arith.constant 0 : index
    %get3A_260 = arith.constant 0 : index
    %get3A_261 = vector.load %arg1[%get3A_258, %get3A_259, %get3A_260] : memref<26x512x32xf32, #tpu.memory_space<vmem>>, vector<1x512x32xf32>
    %get3A_262 = vector.shape_cast %get3A_261 : vector<1x512x32xf32> to vector<512x32xf32>
    %get3A_263 = arith.constant 20 : index
    %get3A_264 = arith.constant 0 : index
    %get3A_265 = arith.constant 0 : index
    %get3A_266 = vector.load %arg2[%get3A_263, %get3A_264, %get3A_265] : memref<26x32x5xf32, #tpu.memory_space<vmem>>, vector<1x32x5xf32>
    %get3A_267 = vector.shape_cast %get3A_266 : vector<1x32x5xf32> to vector<32x5xf32>
    %dot_general3A_268 = arith.constant dense<0.000000e+00> : vector<512x5xf32>
    %dot_general3A_269 = tpu.matmul %get3A_262, %get3A_267, %dot_general3A_268 {dimension_numbers = #tpu.dot_dimension_numbers<[1], [0], [0], [1], [0, 0, 1, 1], [], []>, precision = #tpu.contract_precision<fp32>, transpose_lhs_hint = false} : vector<512x32xf32>, vector<32x5xf32>, vector<512x5xf32> -> vector<512x5xf32>
    %add3A_270 = arith.addf %add3A_257, %dot_general3A_269 : vector<512x5xf32>
    %get3A_271 = arith.constant 21 : index
    %get3A_272 = arith.constant 0 : index
    %get3A_273 = arith.constant 0 : index
    %get3A_274 = vector.load %arg1[%get3A_271, %get3A_272, %get3A_273] : memref<26x512x32xf32, #tpu.memory_space<vmem>>, vector<1x512x32xf32>
    %get3A_275 = vector.shape_cast %get3A_274 : vector<1x512x32xf32> to vector<512x32xf32>
    %get3A_276 = arith.constant 21 : index
    %get3A_277 = arith.constant 0 : index
    %get3A_278 = arith.constant 0 : index
    %get3A_279 = vector.load %arg2[%get3A_276, %get3A_277, %get3A_278] : memref<26x32x5xf32, #tpu.memory_space<vmem>>, vector<1x32x5xf32>
    %get3A_280 = vector.shape_cast %get3A_279 : vector<1x32x5xf32> to vector<32x5xf32>
    %dot_general3A_281 = arith.constant dense<0.000000e+00> : vector<512x5xf32>
    %dot_general3A_282 = tpu.matmul %get3A_275, %get3A_280, %dot_general3A_281 {dimension_numbers = #tpu.dot_dimension_numbers<[1], [0], [0], [1], [0, 0, 1, 1], [], []>, precision = #tpu.contract_precision<fp32>, transpose_lhs_hint = false} : vector<512x32xf32>, vector<32x5xf32>, vector<512x5xf32> -> vector<512x5xf32>
    %add3A_283 = arith.addf %add3A_270, %dot_general3A_282 : vector<512x5xf32>
    %get3A_284 = arith.constant 22 : index
    %get3A_285 = arith.constant 0 : index
    %get3A_286 = arith.constant 0 : index
    %get3A_287 = vector.load %arg1[%get3A_284, %get3A_285, %get3A_286] : memref<26x512x32xf32, #tpu.memory_space<vmem>>, vector<1x512x32xf32>
    %get3A_288 = vector.shape_cast %get3A_287 : vector<1x512x32xf32> to vector<512x32xf32>
    %get3A_289 = arith.constant 22 : index
    %get3A_290 = arith.constant 0 : index
    %get3A_291 = arith.constant 0 : index
    %get3A_292 = vector.load %arg2[%get3A_289, %get3A_290, %get3A_291] : memref<26x32x5xf32, #tpu.memory_space<vmem>>, vector<1x32x5xf32>
    %get3A_293 = vector.shape_cast %get3A_292 : vector<1x32x5xf32> to vector<32x5xf32>
    %dot_general3A_294 = arith.constant dense<0.000000e+00> : vector<512x5xf32>
    %dot_general3A_295 = tpu.matmul %get3A_288, %get3A_293, %dot_general3A_294 {dimension_numbers = #tpu.dot_dimension_numbers<[1], [0], [0], [1], [0, 0, 1, 1], [], []>, precision = #tpu.contract_precision<fp32>, transpose_lhs_hint = false} : vector<512x32xf32>, vector<32x5xf32>, vector<512x5xf32> -> vector<512x5xf32>
    %add3A_296 = arith.addf %add3A_283, %dot_general3A_295 : vector<512x5xf32>
    %get3A_297 = arith.constant 23 : index
    %get3A_298 = arith.constant 0 : index
    %get3A_299 = arith.constant 0 : index
    %get3A_300 = vector.load %arg1[%get3A_297, %get3A_298, %get3A_299] : memref<26x512x32xf32, #tpu.memory_space<vmem>>, vector<1x512x32xf32>
    %get3A_301 = vector.shape_cast %get3A_300 : vector<1x512x32xf32> to vector<512x32xf32>
    %get3A_302 = arith.constant 23 : index
    %get3A_303 = arith.constant 0 : index
    %get3A_304 = arith.constant 0 : index
    %get3A_305 = vector.load %arg2[%get3A_302, %get3A_303, %get3A_304] : memref<26x32x5xf32, #tpu.memory_space<vmem>>, vector<1x32x5xf32>
    %get3A_306 = vector.shape_cast %get3A_305 : vector<1x32x5xf32> to vector<32x5xf32>
    %dot_general3A_307 = arith.constant dense<0.000000e+00> : vector<512x5xf32>
    %dot_general3A_308 = tpu.matmul %get3A_301, %get3A_306, %dot_general3A_307 {dimension_numbers = #tpu.dot_dimension_numbers<[1], [0], [0], [1], [0, 0, 1, 1], [], []>, precision = #tpu.contract_precision<fp32>, transpose_lhs_hint = false} : vector<512x32xf32>, vector<32x5xf32>, vector<512x5xf32> -> vector<512x5xf32>
    %add3A_309 = arith.addf %add3A_296, %dot_general3A_308 : vector<512x5xf32>
    %get3A_310 = arith.constant 24 : index
    %get3A_311 = arith.constant 0 : index
    %get3A_312 = arith.constant 0 : index
    %get3A_313 = vector.load %arg1[%get3A_310, %get3A_311, %get3A_312] : memref<26x512x32xf32, #tpu.memory_space<vmem>>, vector<1x512x32xf32>
    %get3A_314 = vector.shape_cast %get3A_313 : vector<1x512x32xf32> to vector<512x32xf32>
    %get3A_315 = arith.constant 24 : index
    %get3A_316 = arith.constant 0 : index
    %get3A_317 = arith.constant 0 : index
    %get3A_318 = vector.load %arg2[%get3A_315, %get3A_316, %get3A_317] : memref<26x32x5xf32, #tpu.memory_space<vmem>>, vector<1x32x5xf32>
    %get3A_319 = vector.shape_cast %get3A_318 : vector<1x32x5xf32> to vector<32x5xf32>
    %dot_general3A_320 = arith.constant dense<0.000000e+00> : vector<512x5xf32>
    %dot_general3A_321 = tpu.matmul %get3A_314, %get3A_319, %dot_general3A_320 {dimension_numbers = #tpu.dot_dimension_numbers<[1], [0], [0], [1], [0, 0, 1, 1], [], []>, precision = #tpu.contract_precision<fp32>, transpose_lhs_hint = false} : vector<512x32xf32>, vector<32x5xf32>, vector<512x5xf32> -> vector<512x5xf32>
    %add3A_322 = arith.addf %add3A_309, %dot_general3A_321 : vector<512x5xf32>
    %get3A_323 = arith.constant 25 : index
    %get3A_324 = arith.constant 0 : index
    %get3A_325 = arith.constant 0 : index
    %get3A_326 = vector.load %arg1[%get3A_323, %get3A_324, %get3A_325] : memref<26x512x32xf32, #tpu.memory_space<vmem>>, vector<1x512x32xf32>
    %get3A_327 = vector.shape_cast %get3A_326 : vector<1x512x32xf32> to vector<512x32xf32>
    %get3A_328 = arith.constant 25 : index
    %get3A_329 = arith.constant 0 : index
    %get3A_330 = arith.constant 0 : index
    %get3A_331 = vector.load %arg2[%get3A_328, %get3A_329, %get3A_330] : memref<26x32x5xf32, #tpu.memory_space<vmem>>, vector<1x32x5xf32>
    %get3A_332 = vector.shape_cast %get3A_331 : vector<1x32x5xf32> to vector<32x5xf32>
    %dot_general3A_333 = arith.constant dense<0.000000e+00> : vector<512x5xf32>
    %dot_general3A_334 = tpu.matmul %get3A_327, %get3A_332, %dot_general3A_333 {dimension_numbers = #tpu.dot_dimension_numbers<[1], [0], [0], [1], [0, 0, 1, 1], [], []>, precision = #tpu.contract_precision<fp32>, transpose_lhs_hint = false} : vector<512x32xf32>, vector<32x5xf32>, vector<512x5xf32> -> vector<512x5xf32>
    %add3A_335 = arith.addf %add3A_322, %dot_general3A_334 : vector<512x5xf32>
    %get3A_336 = arith.constant 0 : index
    %get3A_337 = arith.constant 0 : index
    %get3A_338 = vector.load %arg3[%get3A_336, %get3A_337] : memref<1x5xf32, #tpu.memory_space<vmem>>, vector<1x5xf32>
    %add3A_339 = vector.broadcast %get3A_338 : vector<1x5xf32> to vector<512x5xf32>
    %add3A_340 = arith.addf %add3A_335, %add3A_339 : vector<512x5xf32>
    %swap3A = arith.constant 0 : index
    %swap3A_341 = arith.constant 0 : index
    %swap3A_342 = vector.load %arg4[%swap3A, %swap3A_341] : memref<512x5xf32, #tpu.memory_space<vmem>>, vector<512x5xf32>
    tpu.vector_store %arg4[%swap3A, %swap3A_341], %add3A_340 {strides = array<i32>} : memref<512x5xf32, #tpu.memory_space<vmem>>, vector<512x5xf32>,
    return
  }
  func.func @transform_0(%arg0: i32) -> (i32, i32, i32) {
    %c0_i32 = arith.constant 0 : i32
    %c0_i32_0 = arith.constant 0 : i32
    %c0_i32_1 = arith.constant 0 : i32
    return %c0_i32, %arg0, %c0_i32_0 : i32, i32, i32
  }
  func.func @transform_1(%arg0: i32) -> (i32, i32, i32) {
    %c0_i32 = arith.constant 0 : i32
    %c0_i32_0 = arith.constant 0 : i32
    %c0_i32_1 = arith.constant 0 : i32
    %c0_i32_2 = arith.constant 0 : i32
    return %c0_i32, %c0_i32_0, %c0_i32_1 : i32, i32, i32
  }
  func.func @transform_2(%arg0: i32) -> (i32, i32) {
    %c0_i32 = arith.constant 0 : i32
    %c0_i32_0 = arith.constant 0 : i32
    %c0_i32_1 = arith.constant 0 : i32
    return %c0_i32, %c0_i32_0 : i32, i32
  }
  func.func @transform_3(%arg0: i32) -> (i32, i32) {
    %c0_i32 = arith.constant 0 : i32
    %c0_i32_0 = arith.constant 0 : i32
    return %arg0, %c0_i32 : i32, i32
  }
}

</mosaic_0001>

<sc_bundles>
// kernel: kernel.4.cloned.1.call-start
scs
__scs_entry_jumppad:
0x0: {  	(pc) =	sbr.rel $0x88, $3  }
0x1: {  	(tag) =	ssettag $0x0;
	lr =	simm.s32 $0x1  }
0x2: {  	[smem:$0x3F9D] =	sst lr;
	_ =	strace $0xD0000000  }
0x3: {  	_ = 	snop  }
0x4: {  	_ = 	snop  }
0x5: {  	_ = 	snop  }
0x6: {  	_ = 	snop  }
0x7: {  	_ = 	snop  }
__scs_overlays_trampoline_lowered:
0x8: {  	[smem:$0x3FAC] =	sst s0  }
0x9: {  	[smem:$0x3FAD] =	sst s1  }
0xa: {  	[smem:$0x3FAE] =	sst s2  }
0xb: {  	[smem:$0x3FAF] =	sst s3  }
0xc: {  	[smem:$0x3FB0] =	sst s4  }
0xd: {  	[smem:$0x3FB1] =	sst s5  }
0xe: {  	[smem:$0x3FB2] =	sst s6  }
0xf: {  	[smem:$0x3FB3] =	sst s7  }
0x10: {  	[smem:$0x3FB4] =	sst s8  }
0x11: {  	[smem:$0x3FB5] =	sst s9;
	s0 =	simm.s32 @!p0 $0x0  }
0x12: {  	s1 =	sld [smem:$0x3F9B];
	s0 =	simm.s32 @p0 $0x1  }
0x13: {  	[smem:$0x3FB6] =	sst s0;
	s0 =	simm.s32 @!p1 $0x0  }
0x14: {  	s2 =	sld [smem:$0x3F9A];
	s0 =	simm.s32 @p1 $0x1  }
0x15: {  	[smem:$0x3FB7] =	sst s0;
	s0 =	simm.s32 @!p2 $0x0  }
0x16: {  	s3 =	sld [smem:$0x3FDB];
	s0 =	simm.s32 @p2 $0x1  }
0x17: {  	s4 =	simm.s32 $0x1BF5;
	[smem:$0x3FB9] =	sst s0  }
0x18: {  	s0 =	sld [smem:$0x3F9C];
	_ =	swait.ge [sflag:s4], $0x0  }
0x19: {  	s7 =	sld [smem:$0x3F9D]  }
0x1a: {  	s8 =	sadd.s32 $0xFFFFE003, lr  }
0x1b: {  	s9 =	sadd.s32 $0xFFFFFEF7, lr;
	s5 =	simm.s32 $0xFFFFFFFF;
	p2 =	slt.u32 s8, $0xFFFFF086  }
0x1c: {  	p1 =	slt.u32 s9, $0xF7A;
	s5 =	simm.s32 @!p2 $0x0  }
0x1d: {  	s5 =	simm.s32 @p1 $0x1;
	p0 =	seq.s32 s7, s2  }
0x1e: {  	s7 =	smul.u32 @!p0 $0xF7A, s2;
	p2 =	seq.s32 @!p0 s5, $0x0  }
0x1f: {  	s9 =	smul.u32 $0xF7A, s1;
	s8 =	simm.s32 @!p0 $0x1BF5;
	p2 =	por !p2, p0  }
0x20: {  	[sflag:s8] =	ssyncset.s32 @!p0 $0xFFFFF086;
	s6 =	sadd.s32 @!p0 s3, s7;
	s7 =	simm.s32 @!p0 $0x108  }
0x21: {  	s3 =	sadd.s32 s3, s9;
	s6 =	sadd.s32 @!p0 $0x88, s6;
	s7 =	simm.s32 @p2 $0x1082  }
0x22: {  	[simem:s7], [sflag:s8] =	dma.local @!p0 [hbm:s6], $0xF7A  }
0x23: {  	s9 =	sor.u32 $0xD0000000, s2;
	s6 =	simm.s32 $0x108;
	_ =	swait.ge @!p0 [sflag:s8], $0x0  }
0x24: {  	s3 =	sadd.s32 $0x88, s3;
	s6 =	simm.s32 @!p1 $0x1082;
	[sflag:s4] =	ssyncset.s32 $0xFFFFF086  }
0x25: {  	[simem:s6], [sflag:s4] =	dma.local [hbm:s3], $0xF7A  }
0x26: {  	[smem:$0x3F9D] =	sst s1;
	(tag) =	ssettag s2;
	_ =	strace s9  }
0x27: {  	s1 =	sld [smem:$0x3FAD]  }
0x28: {  	s2 =	sld [smem:$0x3FAE]  }
0x29: {  	s4 =	sld [smem:$0x3FB0]  }
0x2a: {  	p0 =	seq.s32 s5, $0x0;
	s5 =	sld [smem:$0x3FB1]  }
0x2b: {  	s6 =	sld [smem:$0x3FB2]  }
0x2c: {  	s7 =	sld [smem:$0x3FB3]  }
0x2d: {  	s3 =	simm.s32 $0x108;
	s8 =	sld [smem:$0x3FB4]  }
0x2e: {  	s3 =	simm.s32 @!p0 $0x1082;
	s9 =	sld [smem:$0x3FB5]  }
0x2f: {  	lr =	sadd.s32 s0, s3;
	s0 =	sld [smem:$0x3FAC]  }
0x30: {  	s3 =	sld [smem:$0x3FAF]  }
0x31: {  	[smem:$0x3FB8] =	sst s10  }
0x32: {  	s10 =	sld [smem:$0x3FB6];
	_ =	sdelay $0x3  }
0x33: {  	p0 =	seq.s32 s10, $0x1;
	s10 =	sld [smem:$0x3FB8];
	_ =	sdelay $0x3  }
0x34: {  	[smem:$0x3FB8] =	sst s10  }
0x35: {  	s10 =	sld [smem:$0x3FB7];
	_ =	sdelay $0x3  }
0x36: {  	p1 =	seq.s32 s10, $0x1;
	s10 =	sld [smem:$0x3FB8];
	_ =	sdelay $0x3  }
0x37: {  	[smem:$0x3FB8] =	sst s10  }
0x38: {  	s10 =	sld [smem:$0x3FB9]  }
0x39: {  	_ = 	snop;
	(pc) =	sbr.ind lr, $3  }
0x3a: {  	_ = 	snop  }
0x3b: {  	_ = 	snop  }
0x3c: {  	p2 =	seq.s32 s10, $0x1;
	s10 =	sld [smem:$0x3FB8]  }
0x3d: {  	_ =	shalt  }
0x3e: {  	_ =	shalt  }
0x3f: {  	_ =	shalt  }
0x40: {  	_ =	shalt  }
0x41: {  	_ =	shalt  }
0x42: {  	_ =	shalt  }
0x43: {  	_ =	shalt  }
0x44: {  	_ =	shalt  }
0x45: {  	_ =	shalt  }
0x46: {  	_ =	shalt  }
0x47: {  	_ =	shalt  }
0x48: {  	_ =	shalt  }
0x49: {  	_ =	shalt  }
0x4a: {  	_ =	shalt  }
0x4b: {  	_ =	shalt  }
0x4c: {  	_ =	shalt  }
0x4d: {  	_ =	shalt  }
0x4e: {  	_ =	shalt  }
0x4f: {  	_ =	shalt  }
0x50: {  	_ =	shalt  }
0x51: {  	_ =	shalt  }
0x52: {  	_ =	shalt  }
0x53: {  	_ =	shalt  }
0x54: {  	_ =	shalt  }
0x55: {  	_ =	shalt  }
0x56: {  	_ =	shalt  }
0x57: {  	_ =	shalt  }
0x58: {  	_ =	shalt  }
0x59: {  	_ =	shalt  }
0x5a: {  	_ =	shalt  }
0x5b: {  	_ =	shalt  }
0x5c: {  	_ =	shalt  }
0x5d: {  	_ =	shalt  }
0x5e: {  	_ =	shalt  }
0x5f: {  	_ =	shalt  }
0x60: {  	_ =	shalt  }
0x61: {  	_ =	shalt  }
0x62: {  	_ =	shalt  }
0x63: {  	_ =	shalt  }
0x64: {  	_ =	shalt  }
0x65: {  	_ =	shalt  }
0x66: {  	_ =	shalt  }
0x67: {  	_ =	shalt  }
0x68: {  	_ =	shalt  }
0x69: {  	_ =	shalt  }
0x6a: {  	_ =	shalt  }
0x6b: {  	_ =	shalt  }
0x6c: {  	_ =	shalt  }
0x6d: {  	_ =	shalt  }
0x6e: {  	_ =	shalt  }
0x6f: {  	_ =	shalt  }
0x70: {  	_ =	shalt  }
0x71: {  	_ =	shalt  }
0x72: {  	_ =	shalt  }
0x73: {  	_ =	shalt  }
0x74: {  	_ =	shalt  }
0x75: {  	_ =	shalt  }
0x76: {  	_ =	shalt  }
0x77: {  	_ =	shalt  }
0x78: {  	_ =	shalt  }
0x79: {  	_ =	shalt  }
0x7a: {  	_ =	shalt  }
0x7b: {  	_ =	shalt  }
0x7c: {  	_ =	shalt  }
0x7d: {  	_ =	shalt  }
0x7e: {  	_ =	shalt  }
0x7f: {  	_ =	shalt  }
0x80: {  	_ =	shalt  }
0x81: {  	_ =	shalt  }
0x82: {  	_ =	shalt  }
0x83: {  	_ =	shalt  }
0x84: {  	_ =	shalt  }
0x85: {  	_ =	shalt  }
0x86: {  	_ =	shalt  }
0x87: {  	_ =	shalt  }
.Lfunc_end0:
.L_simem_size_0:
called_computation_lowered:
.L_overlay_start_0:
0x88: {  	s2 =	sld [smem:$0x3FD9]  }
0x89: {  	s3 =	sld [smem:$0x3FFE];
	_ =	sdelay $0x1  }
0x8a: {  	s1 =	srdreg.scid  }
0x8b: {  	s0 =	sand.u32 $0x1, s1  }
0x8c: {  	s16 =	sshll.u32 s0, $0xA;
	s2 =	sadd.s32 s3, s2  }
0x8d: {  	s2 =	sadd.s32 s2, s16  }
0x8e: {  	[smem:$0x3FC4] =	sst s2  }
0x8f: {  	_ = 	snop  }
0x90: {  	(tm) =	ssettm $0x1  }
0x91: {  	s17 =	sld [smem:$0x3FFB];
	_ =	sdelay $0x3  }
0x92: {  	_ =	strace s17  }
0x93: {  	s2 =	sld [smem:$0x3FFC];
	_ =	sdelay $0x3  }
0x94: {  	_ =	strace s2  }
0x95: {  	s2 =	sld [smem:$0x3FFD];
	_ =	sdelay $0x3  }
0x96: {  	_ =	strace s2  }
0x97: {  	_ =	strace $0x8FFFFFFF  }
0x98: {  	s18 =	sld [smem:$0x3FDB];
	_ =	sdelay $0x1  }
0x99: {  	s19 =	simm.s32 $_scs_section_size  }
0x9a: {  	s4 =	simm.s32 $_size__tile_overlayer_lowered;
	s5 =	simm.s32 $_tile_overlayer_lowered  }
0x9b: {  	s22 =	simm.s32 $0x1BFF;
	s21 =	sshll.u32 s5, $0x1;
	s2 =	sadd.s32 s19, s18  }
0x9c: {  	s6 =	simm.s32 $0x0;
	s20 =	sshll.u32 s4, $0x1;
	s4 =	sadd.s32 s21, s2  }
0x9d: {  	[timem:s6], [sflag:s22] =	dma.local [hbm:s4], s20  }
0x9e: {  	_ =	swait.ge [sflag:s22], s20  }
0x9f: {  	s3 =	ssub.s32 $0x0, s20;
	[sflag:s22] =	ssyncset.done $0x0  }
0xa0: {  	[sflag:s22] =	ssyncadd.s32 s3;
	_ =	sdelay $0x1  }
0xa1: {  	s23 =	simm.s32 $0x1B8B  }
0xa2: {  	_ =	swait.ge [sflag:s23], $0x1  }
0xa3: {  	[sflag:s23] =	ssyncset.done $0x0  }
0xa4: {  	s25 =	simm.s32 $0x1B8E;
	s24 =	sld [smem:$0x3FFE];
	[sflag:s23] =	ssyncadd.s32 $0xFFFFFFFF  }
0xa5: {  	s26 =	simm.s32 $execute0_lowered;
	[smem:$0x3FD2] =	sst s25  }
0xa6: {  	s4 =	sshll.u32 s26, $0x1;
	_ =	strace $0x80000046;
	[dreg:$0x1] =	wrdreg $0xFFFFFFFF  }
0xa7: {  	s28 =	simm.s32 $_size_execute0_lowered;
	s2 =	sadd.s32 s2, s4;
	[dreg:$0x0] =	wrdreg $0x0  }
0xa8: {  	s4 =	sshll.u32 s28, $0x1;
	[dreg:$0x2] =	wrdreg s2  }
0xa9: {  	[dreg:$0x3] =	wrdreg s4  }
0xaa: {  	[dreg:$0x4] =	wrdreg $0xC0  }
0xab: {  	_ =	task [dreg:s6], $0x5FFFF  }
0xac: {  	[dreg:$0x1] =	wrdreg $0xFFFFFFFF  }
0xad: {  	[dreg:$0x0] =	wrdreg $0x60  }
0xae: {  	[dreg:$0x2] =	wrdreg s24  }
0xaf: {  	[dreg:$0x3] =	wrdreg $0x9  }
0xb0: {  	_ =	task.clear_ibuf [dreg:s6], $0x4FFFF;
	_ =	strace $0x90000046  }
0xb1: {  	s29 =	simm.s32 $0x9;
	_ =	strace $0x80000048  }
0xb2: {  	_ =	swait.ge [sflag:s29], $0x1  }
0xb3: {  	[sflag:s29] =	ssyncadd.s32 $0xFFFFFFFF  }
0xb4: {  	_ =	strace $0x90000048  }
0xb5: {  	_ =	sfence  }
0xb6: {  	s30 =	sld [smem:$0x0];
	_ =	sdelay $0x2  }
0xb7: {  	s31 =	sshll.u32 s1, $0xD;
	s1 =	sshrl.u32 s1, $0x2  }
0xb8: {  	s3 =	sand.u32 $0x4000, s31;
	s1 =	sadd.s32 s1, s30  }
0xb9: {  	s0 =	sor.u32 s3, s0;
	s1 =	sshll.u32 s1, $0x11  }
0xba: {  	s0 =	sor.u32 s1, s0  }
0xbb: {  	s0 =	sadd.s32 $0x8F2B, s0  }
0xbc: {  	[sflag:s0] =	ssyncadd.remote.s32 $0x1  }
0xbd: {  	_ =	sfence.sel $0xFFFF  }
0xbe: {  	[dreg:$0x0] =	wrdreg $0xFFFFFFFF;
	(pc) =	sbr.abs _section_cstart, $3  }
0xbf: {  	[dreg:$0x1] =	wrdreg $0xFFFFFFFF  }
0xc0: {  	_ =	task.clear_ibuf [dreg:s6], $0x2FFFF;
	_ =	strace $0x9FFFFFFF  }
0xc1: {  	(tm) =	ssettm $0x7FFFFFFF  }
tec
execute0_lowered:
.L_overlay_start_1:
0x0: {  	(tag) =	ssettag $0x1  }
0x1: {  	s1 =	srdreg.scid;
	s0 =	stileid.u32  }
0x2: {  	s6 =	rddreg [dreg:$0x0];
	s2 =	simm.s32 $0x0;
	s11 =	simm.s32 $0x5400  }
0x3: {  	s12 =	simm.s32 $0x180;
	s13 =	simm.s32 $0x6400;
	s14 =	simm.s32 $0x7400  }
0x4: {  	s15 =	simm.s32 $0x8400;
	s16 =	simm.s32 $0x9400;
	s17 =	simm.s32 $0xA400  }
0x5: {  	s18 =	simm.s32 $0x1;
	s4 =	sand.u32 $0x1, s1;
	s5 =	smul.u32 $0xD0000, s0  }
0x6: {  	s8 =	smul.u32 $0x6800, s0;
	[smem:$0x7FF] =	sst s2;
	s9 =	sshll.u32 s0, $0x1  }
0x7: {  	s3 =	sadd.s32 $0x27AD000, s6;
	s20 =	sadd.s32 $0xDC00, s6;
	s7 =	smul.u32 $0x68000, s4  }
0x8: {  	s10 =	smul.u32 $0x3400, s4;
	s9 =	sor.u32 s4, s9;
	s4 =	ssub.s32 $0x2, s4  }
0x9: {  	_ =	strace $0x80000047;
	s9 =	smul.u32 $0x680, s9;
	s26 =	sshrl.u32 s4, $0x1  }
0xa: {  	s5 =	sadd.s32 s7, s5;
	s19 =	sadd.s32 s10, s8;
	s28 =	ssub.s32 s4, s26  }
0xb: {  	s8 =	simm.s32 $0x3400;
	s10 =	simm.s32 $0x100;
	s21 =	sshrl.u32 s5, $0x3  }
0xc: {  	s7 =	sshll.u32 s19, $0x2;
	s6 =	sadd.s32 s9, s6;
	s5 =	sor.u32 $0x4000, s5  }
0xd: {  	s9 =	simm.s32 $0x4400;
	s22 =	sadd.s32 s21, s20;
	s7 =	sadd.s32 s7, s20  }
0xe: {  	s19 =	simm.s32 $0x2;
	[dreg:$0x2] =	wrdreg s22;
	s23 =	sadd.s32 $0x600, s7  }
0xf: {  	s5 =	sshrl.u32 s5, $0x3;
	s24 =	sadd.s32 $0x400, s7;
	[dreg:$0x3] =	wrdreg s23  }
0x10: {  	s4 =	sadd.s32 $0xC00, s6;
	s25 =	sadd.s32 $0x200, s7;
	[dreg:$0x4] =	wrdreg s24  }
0x11: {  	s6 =	simm.s32 $0x5;
	s5 =	sadd.s32 s5, s20;
	[dreg:$0x5] =	wrdreg s25  }
0x12: {  	s21 =	simm.s32 $0x4;
	s29 =	sadd.s32 $0xC00, s7;
	[dreg:$0x6] =	wrdreg s5  }
0x13: {  	s30 =	sadd.s32 $0xA00, s7;
	s31 =	sadd.s32 $0xE00, s7;
	[dreg:$0x7] =	wrdreg s29  }
0x14: {  	s7 =	simm.s32 $0x80;
	s20 =	simm.s32 $0x3;
	[dreg:$0x8] =	wrdreg s30  }
0x15: {  	s22 =	simm.s32 $0x0;
	s5 =	smax.u32 s28, $0x1;
	[dreg:$0x9] =	wrdreg s31  }
.LBB2_1:
0x16: {  	[tilespmem:s2], [sflag:$0x5] =	stream.linear.gather [hbm4b:s4+s2], $0x3400, $0x38;
	[tilespmem:$0xB400] =	vst v63  }
0x17: {  	_ =	swait.ge [sflag:s6], $0x3400  }
0x18: {  	[sflag:s6] =	ssyncset.done $0x0  }
0x19: {  	[sflag:s6] =	ssyncadd.s32 $0xFFFFCC00  }
0x1a: {  	[tilespmem:s8], [sflag:$0x1] =	stream.indirect.gather [hbm4b:s3+s7], $0x20, s2, s7, $0xb8;
	[tilespmem:$0xB400] =	vst v63  }
0x1b: {  	p0 =	por $0x1, $0x1  }
0x1c: {  	[tilespmem:s9], [sflag:$0x1] =	stream.indirect.gather [hbm4b:s3+s7], $0x20, s7, s7, $0xb8;
	[tilespmem:$0xB400] =	vst v63  }
0x1d: {  	p0 =	por p0, p0  }
0x1e: {  	[tilespmem:s11], [sflag:$0x1] =	stream.indirect.gather [hbm4b:s3+s7], $0x20, s10, s7, $0xb8;
	[tilespmem:$0xB400] =	vst v63  }
0x1f: {  	s23 =	simm.s32 @!p0 $0x4  }
0x20: {  	[tilespmem:s13], [sflag:$0x1] =	stream.indirect.gather [hbm4b:s3+s7], $0x20, s12, s7, $0xb8;
	[tilespmem:$0xB400] =	vst v63  }
0x21: {  	_ =	swait.ge @!p0 [sflag:s23], $0x1000  }
0x22: {  	[sflag:s23] =	ssyncset.done @!p0 $0x0  }
0x23: {  	[sflag:s23] =	ssyncadd.s32 @!p0 $0xFFFFF000  }
0x24: {  	_ =	swait.ge @!p0 [sflag:s23], $0x1000  }
0x25: {  	[sflag:s23] =	ssyncset.done @!p0 $0x0  }
0x26: {  	[sflag:s23] =	ssyncadd.s32 @!p0 $0xFFFFF000  }
0x27: {  	_ =	swait.ge @!p0 [sflag:s23], $0x1000  }
0x28: {  	[sflag:s23] =	ssyncset.done @!p0 $0x0  }
0x29: {  	[sflag:s23] =	ssyncadd.s32 @!p0 $0xFFFFF000  }
0x2a: {  	_ =	swait.ge @!p0 [sflag:s23], $0x1000  }
0x2b: {  	[sflag:s23] =	ssyncset.done @!p0 $0x0  }
0x2c: {  	s1 =	simm.s32 $0x200;
	[sflag:s23] =	ssyncadd.s32 @!p0 $0xFFFFF000  }
0x2d: {  	[tilespmem:s14], [sflag:$0x2] =	stream.indirect.gather [hbm4b:s3+s7], $0x20, s1, s7, $0xb8;
	[tilespmem:$0xB400] =	vst v63  }
0x2e: {  	s24 =	simm.s32 $0x280  }
0x2f: {  	[tilespmem:s15], [sflag:$0x2] =	stream.indirect.gather [hbm4b:s3+s7], $0x20, s24, s7, $0xb8;
	[tilespmem:$0xB400] =	vst v63  }
0x30: {  	s25 =	simm.s32 $0x300  }
0x31: {  	[tilespmem:s16], [sflag:$0x2] =	stream.indirect.gather [hbm4b:s3+s7], $0x20, s25, s7, $0xb8;
	[tilespmem:$0xB400] =	vst v63  }
0x32: {  	s26 =	simm.s32 $0x380  }
0x33: {  	[tilespmem:s17], [sflag:$0x2] =	stream.indirect.gather [hbm4b:s3+s7], $0x20, s26, s7, $0xb8;
	[tilespmem:$0xB400] =	vst v63  }
0x34: {  	_ =	swait.ge [sflag:s18], $0x1000  }
0x35: {  	[sflag:s18] =	ssyncset.done $0x0  }
0x36: {  	[sflag:s18] =	ssyncadd.s32 $0xFFFFF000  }
0x37: {  	_ =	swait.ge [sflag:s18], $0x1000  }
0x38: {  	[sflag:s18] =	ssyncset.done $0x0  }
0x39: {  	[sflag:s18] =	ssyncadd.s32 $0xFFFFF000  }
0x3a: {  	_ =	swait.ge [sflag:s18], $0x1000  }
0x3b: {  	[sflag:s18] =	ssyncset.done $0x0  }
0x3c: {  	[sflag:s18] =	ssyncadd.s32 $0xFFFFF000  }
0x3d: {  	_ =	swait.ge [sflag:s18], $0x1000  }
0x3e: {  	s28 =	rddreg [dreg:$0x2];
	[sflag:s18] =	ssyncset.done $0x0  }
0x3f: {  	s24 =	rddreg [dreg:$0x5];
	[sflag:s18] =	ssyncadd.s32 $0xFFFFF000;
	s23 =	sadd.s32 $0x0, s28  }
0x40: {  	[hbm4b:s23+s2] =	stream.linear.scatter [tilespmem:s8], [sflag:$0x3], $0x1000, $0x38;
	[tilespmem:$0xB400] =	vst v63  }
0x41: {  	s25 =	rddreg [dreg:$0x4];
	s29 =	sadd.s32 $0x0, s24  }
0x42: {  	[hbm4b:s29+s2] =	stream.linear.scatter [tilespmem:s9], [sflag:$0x3], $0x1000, $0x38;
	[tilespmem:$0xB400] =	vst v63  }
0x43: {  	s30 =	rddreg [dreg:$0x3];
	s31 =	sadd.s32 $0x0, s25  }
0x44: {  	[hbm4b:s31+s2] =	stream.linear.scatter [tilespmem:s11], [sflag:$0x3], $0x1000, $0x38;
	[tilespmem:$0xB400] =	vst v63  }
0x45: {  	s0 =	sadd.s32 $0x0, s30  }
0x46: {  	[hbm4b:s0+s2] =	stream.linear.scatter [tilespmem:s13], [sflag:$0x3], $0x1000, $0x38;
	[tilespmem:$0xB400] =	vst v63  }
0x47: {  	_ =	swait.ge [sflag:s19], $0x1000  }
0x48: {  	[sflag:s19] =	ssyncset.done $0x0  }
0x49: {  	[sflag:s19] =	ssyncadd.s32 $0xFFFFF000  }
0x4a: {  	_ =	swait.ge [sflag:s19], $0x1000  }
0x4b: {  	[sflag:s19] =	ssyncset.done $0x0  }
0x4c: {  	[sflag:s19] =	ssyncadd.s32 $0xFFFFF000  }
0x4d: {  	_ =	swait.ge [sflag:s19], $0x1000  }
0x4e: {  	[sflag:s19] =	ssyncset.done $0x0  }
0x4f: {  	[sflag:s19] =	ssyncadd.s32 $0xFFFFF000  }
0x50: {  	_ =	swait.ge [sflag:s19], $0x1000  }
0x51: {  	[sflag:s19] =	ssyncset.done $0x0  }
0x52: {  	[sflag:s19] =	ssyncadd.s32 $0xFFFFF000  }
0x53: {  	_ =	swait.ge [sflag:s20], $0x1000  }
0x54: {  	[sflag:s20] =	ssyncset.done $0x0  }
0x55: {  	[sflag:s20] =	ssyncadd.s32 $0xFFFFF000  }
0x56: {  	_ =	swait.ge [sflag:s20], $0x1000  }
0x57: {  	[sflag:s20] =	ssyncset.done $0x0  }
0x58: {  	[sflag:s20] =	ssyncadd.s32 $0xFFFFF000  }
0x59: {  	_ =	swait.ge [sflag:s20], $0x1000  }
0x5a: {  	[sflag:s20] =	ssyncset.done $0x0  }
0x5b: {  	[sflag:s20] =	ssyncadd.s32 $0xFFFFF000  }
0x5c: {  	p0 =	por $0x0, $0x0;
	_ =	swait.ge [sflag:s20], $0x1000  }
0x5d: {  	s24 =	simm.s32 @!p0 $0x400;
	[sflag:s20] =	ssyncset.done $0x0  }
0x5e: {  	s25 =	simm.s32 @!p0 $0x80;
	s23 =	simm.s32 @!p0 $0x3400;
	[sflag:s20] =	ssyncadd.s32 $0xFFFFF000  }
0x5f: {  	[tilespmem:s23], [sflag:$0x1] =	stream.indirect.gather @!p0 [hbm4b:s3+s25], $0x20, s24, s25, $0xb8;
	[tilespmem:$0xB400] =	vst v63  }
0x60: {  	s1 =	rddreg [dreg:$0x6];
	s23 =	simm.s32 @!p0 $0x480;
	s24 =	simm.s32 @!p0 $0x4400  }
0x61: {  	[tilespmem:s24], [sflag:$0x1] =	stream.indirect.gather @!p0 [hbm4b:s3+s25], $0x20, s23, s25, $0xb8;
	[tilespmem:$0xB400] =	vst v63  }
0x62: {  	s28 =	rddreg [dreg:$0x7];
	s23 =	simm.s32 @!p0 $0x500;
	s24 =	simm.s32 @!p0 $0x5400  }
0x63: {  	[tilespmem:s24], [sflag:$0x1] =	stream.indirect.gather @!p0 [hbm4b:s3+s25], $0x20, s23, s25, $0xb8;
	[tilespmem:$0xB400] =	vst v63  }
0x64: {  	s26 =	simm.s32 @!p0 $0x6400;
	s30 =	rddreg [dreg:$0x9];
	s24 =	simm.s32 @!p0 $0x580  }
0x65: {  	[tilespmem:s26], [sflag:$0x1] =	stream.indirect.gather @!p0 [hbm4b:s3+s25], $0x20, s24, s25, $0xb8;
	[tilespmem:$0xB400] =	vst v63  }
0x66: {  	p6 =	por $0x0, $0x0;
	s23 =	sadd.s32 $0x0, s1;
	s26 =	rddreg [dreg:$0x8]  }
0x67: {  	[hbm4b:s23+s2] =	stream.linear.scatter [tilespmem:s14], [sflag:$0x4], $0x1000, $0x38;
	[tilespmem:$0xB400] =	vst v63  }
0x68: {  	s31 =	sadd.s32 $0x0, s28;
	s24 =	simm.s32 $0x2000;
	s29 =	sadd.s32 $0x0, s26  }
0x69: {  	[hbm4b:s29+s2] =	stream.linear.scatter [tilespmem:s15], [sflag:$0x4], $0x1000, $0x38;
	[tilespmem:$0xB400] =	vst v63  }
0x6a: {  	p0 =	por p6, p6;
	s26 =	sadd.s32 $0x0, s30;
	s23 =	simm.s32 $0x1000  }
0x6b: {  	[hbm4b:s31+s2] =	stream.linear.scatter [tilespmem:s16], [sflag:$0x4], $0x1000, $0x38;
	[tilespmem:$0xB400] =	vst v63  }
.LBB2_2:
0x6c: {  	s28 =	simm.s32 @!p0 $0x4  }
0x6d: {  	[hbm4b:s26+s2] =	stream.linear.scatter [tilespmem:s17], [sflag:$0x4], $0x1000, $0x38;
	[tilespmem:$0xB400] =	vst v63  }
0x6e: {  	_ =	swait.ge @!p0 [sflag:s28], $0x1000  }
0x6f: {  	[sflag:s28] =	ssyncset.done @!p0 $0x0  }
0x70: {  	[sflag:s28] =	ssyncadd.s32 @!p0 $0xFFFFF000  }
0x71: {  	_ =	swait.ge @!p0 [sflag:s28], $0x1000  }
0x72: {  	[sflag:s28] =	ssyncset.done @!p0 $0x0  }
0x73: {  	[sflag:s28] =	ssyncadd.s32 @!p0 $0xFFFFF000  }
0x74: {  	_ =	swait.ge @!p0 [sflag:s28], $0x1000  }
0x75: {  	[sflag:s28] =	ssyncset.done @!p0 $0x0  }
0x76: {  	[sflag:s28] =	ssyncadd.s32 @!p0 $0xFFFFF000  }
0x77: {  	_ =	swait.ge @!p0 [sflag:s28], $0x1000  }
0x78: {  	s30 =	sshra.s32 s23, $0x2;
	[sflag:s28] =	ssyncset.done @!p0 $0x0  }
0x79: {  	s31 =	sadd.s32 $0x200, s30;
	[sflag:s28] =	ssyncadd.s32 @!p0 $0xFFFFF000  }
0x7a: {  	[tilespmem:s14], [sflag:$0x2] =	stream.indirect.gather [hbm4b:s3+s7], $0x20, s31, s7, $0xb8;
	[tilespmem:$0xB400] =	vst v63  }
0x7b: {  	s0 =	sadd.s32 $0x280, s30  }
0x7c: {  	[tilespmem:s15], [sflag:$0x2] =	stream.indirect.gather [hbm4b:s3+s7], $0x20, s0, s7, $0xb8;
	[tilespmem:$0xB400] =	vst v63  }
0x7d: {  	s1 =	sadd.s32 $0x300, s30  }
0x7e: {  	[tilespmem:s16], [sflag:$0x2] =	stream.indirect.gather [hbm4b:s3+s7], $0x20, s1, s7, $0xb8;
	[tilespmem:$0xB400] =	vst v63  }
0x7f: {  	s26 =	sadd.s32 $0x380, s30  }
0x80: {  	[tilespmem:s17], [sflag:$0x2] =	stream.indirect.gather [hbm4b:s3+s7], $0x20, s26, s7, $0xb8;
	[tilespmem:$0xB400] =	vst v63  }
0x81: {  	_ =	swait.ge [sflag:s18], $0x1000  }
0x82: {  	[sflag:s18] =	ssyncset.done $0x0  }
0x83: {  	[sflag:s18] =	ssyncadd.s32 $0xFFFFF000  }
0x84: {  	_ =	swait.ge [sflag:s18], $0x1000  }
0x85: {  	[sflag:s18] =	ssyncset.done $0x0  }
0x86: {  	[sflag:s18] =	ssyncadd.s32 $0xFFFFF000  }
0x87: {  	_ =	swait.ge [sflag:s18], $0x1000  }
0x88: {  	[sflag:s18] =	ssyncset.done $0x0  }
0x89: {  	[sflag:s18] =	ssyncadd.s32 $0xFFFFF000  }
0x8a: {  	_ =	swait.ge [sflag:s18], $0x1000  }
0x8b: {  	s29 =	rddreg [dreg:$0x2];
	[sflag:s18] =	ssyncset.done $0x0  }
0x8c: {  	s30 =	rddreg [dreg:$0x5];
	[sflag:s18] =	ssyncadd.s32 $0xFFFFF000;
	s26 =	sadd.s32 s23, s29  }
0x8d: {  	[hbm4b:s26+s2] =	stream.linear.scatter [tilespmem:s8], [sflag:$0x3], $0x1000, $0x38;
	[tilespmem:$0xB400] =	vst v63  }
0x8e: {  	s29 =	rddreg [dreg:$0x4];
	s31 =	sadd.s32 s23, s30  }
0x8f: {  	[hbm4b:s31+s2] =	stream.linear.scatter [tilespmem:s9], [sflag:$0x3], $0x1000, $0x38;
	[tilespmem:$0xB400] =	vst v63  }
0x90: {  	s0 =	rddreg [dreg:$0x3];
	s1 =	sadd.s32 s23, s29  }
0x91: {  	[hbm4b:s1+s2] =	stream.linear.scatter [tilespmem:s11], [sflag:$0x3], $0x1000, $0x38;
	[tilespmem:$0xB400] =	vst v63  }
0x92: {  	s28 =	sadd.s32 s23, s0  }
0x93: {  	[hbm4b:s28+s2] =	stream.linear.scatter [tilespmem:s13], [sflag:$0x3], $0x1000, $0x38;
	[tilespmem:$0xB400] =	vst v63  }
0x94: {  	_ =	swait.ge [sflag:s19], $0x1000  }
0x95: {  	[sflag:s19] =	ssyncset.done $0x0  }
0x96: {  	[sflag:s19] =	ssyncadd.s32 $0xFFFFF000  }
0x97: {  	_ =	swait.ge [sflag:s19], $0x1000  }
0x98: {  	[sflag:s19] =	ssyncset.done $0x0  }
0x99: {  	[sflag:s19] =	ssyncadd.s32 $0xFFFFF000  }
0x9a: {  	_ =	swait.ge [sflag:s19], $0x1000  }
0x9b: {  	[sflag:s19] =	ssyncset.done $0x0  }
0x9c: {  	[sflag:s19] =	ssyncadd.s32 $0xFFFFF000  }
0x9d: {  	_ =	swait.ge [sflag:s19], $0x1000  }
0x9e: {  	[sflag:s19] =	ssyncset.done $0x0  }
0x9f: {  	[sflag:s19] =	ssyncadd.s32 $0xFFFFF000  }
0xa0: {  	_ =	swait.ge [sflag:s20], $0x1000  }
0xa1: {  	[sflag:s20] =	ssyncset.done $0x0  }
0xa2: {  	[sflag:s20] =	ssyncadd.s32 $0xFFFFF000  }
0xa3: {  	_ =	swait.ge [sflag:s20], $0x1000  }
0xa4: {  	[sflag:s20] =	ssyncset.done $0x0  }
0xa5: {  	[sflag:s20] =	ssyncadd.s32 $0xFFFFF000  }
0xa6: {  	_ =	swait.ge [sflag:s20], $0x1000  }
0xa7: {  	[sflag:s20] =	ssyncset.done $0x0  }
0xa8: {  	p2 =	seq.s32 s24, $0x0;
	[sflag:s20] =	ssyncadd.s32 $0xFFFFF000  }
0xa9: {  	p0 =	por p2, p2;
	p2 =	seq.s32 s23, $0xC000;
	_ =	swait.ge [sflag:s20], $0x1000  }
0xaa: {  	s26 =	simm.s32 @!p2 $0x3400;
	s29 =	sshra.s32 @!p2 s23, $0x2;
	[sflag:s20] =	ssyncset.done $0x0  }
0xab: {  	s31 =	sadd.s32 @!p2 $0x400, s29;
	s1 =	simm.s32 @!p2 $0x80;
	[sflag:s20] =	ssyncadd.s32 $0xFFFFF000  }
0xac: {  	[tilespmem:s26], [sflag:$0x1] =	stream.indirect.gather @!p2 [hbm4b:s3+s1], $0x20, s31, s1, $0xb8;
	[tilespmem:$0xB400] =	vst v63  }
0xad: {  	s25 =	smov.u32 s24;
	s26 =	sadd.s32 @!p2 $0x480, s29;
	s31 =	simm.s32 @!p2 $0x4400  }
0xae: {  	[tilespmem:s31], [sflag:$0x1] =	stream.indirect.gather @!p2 [hbm4b:s3+s1], $0x20, s26, s1, $0xb8;
	[tilespmem:$0xB400] =	vst v63  }
0xaf: {  	s24 =	sadd.s32 $0x1000, s24;
	s0 =	sadd.s32 @!p2 $0x500, s29;
	s26 =	simm.s32 @!p2 $0x5400  }
0xb0: {  	[tilespmem:s26], [sflag:$0x1] =	stream.indirect.gather @!p2 [hbm4b:s3+s1], $0x20, s0, s1, $0xb8;
	[tilespmem:$0xB400] =	vst v63  }
0xb1: {  	s28 =	rddreg [dreg:$0x6];
	s29 =	sadd.s32 @!p2 $0x580, s29;
	s0 =	simm.s32 @!p2 $0x6400  }
0xb2: {  	[tilespmem:s0], [sflag:$0x1] =	stream.indirect.gather @!p2 [hbm4b:s3+s1], $0x20, s29, s1, $0xb8;
	[tilespmem:$0xB400] =	vst v63  }
0xb3: {  	p1 =	sne.s32 s24, $0xD000;
	s30 =	rddreg [dreg:$0x8];
	s29 =	sadd.s32 s23, s28  }
0xb4: {  	[hbm4b:s29+s2] =	stream.linear.scatter [tilespmem:s14], [sflag:$0x4], $0x1000, $0x38;
	[tilespmem:$0xB400] =	vst v63  }
.Ltmp0:
0xb5: {  	s31 =	rddreg [dreg:$0x7];
	(pc) =	sbr.rel @p1 .LBB2_2-.Ltmp0, $4  }
0xb6: {  	s30 =	sadd.s32 s23, s30;
	s26 =	rddreg [dreg:$0x9]  }
0xb7: {  	[hbm4b:s30+s2] =	stream.linear.scatter [tilespmem:s15], [sflag:$0x4], $0x1000, $0x38;
	[tilespmem:$0xB400] =	vst v63  }
0xb8: {  	s31 =	sadd.s32 s23, s31;
	s26 =	sadd.s32 s23, s26;
	s23 =	smov.u32 s25  }
0xb9: {  	[hbm4b:s31+s2] =	stream.linear.scatter [tilespmem:s16], [sflag:$0x4], $0x1000, $0x38;
	[tilespmem:$0xB400] =	vst v63  }
0xba: {  	s0 =	simm.s32 @!p0 $0x4  }
0xbb: {  	[hbm4b:s26+s2] =	stream.linear.scatter [tilespmem:s17], [sflag:$0x4], $0x1000, $0x38;
	[tilespmem:$0xB400] =	vst v63  }
0xbc: {  	_ =	swait.ge @!p0 [sflag:s0], $0x1000  }
0xbd: {  	[sflag:s0] =	ssyncset.done @!p0 $0x0  }
0xbe: {  	[sflag:s0] =	ssyncadd.s32 @!p0 $0xFFFFF000  }
0xbf: {  	_ =	swait.ge @!p0 [sflag:s0], $0x1000  }
0xc0: {  	[sflag:s0] =	ssyncset.done @!p0 $0x0  }
0xc1: {  	[sflag:s0] =	ssyncadd.s32 @!p0 $0xFFFFF000  }
0xc2: {  	_ =	swait.ge @!p0 [sflag:s0], $0x1000  }
0xc3: {  	[sflag:s0] =	ssyncset.done @!p0 $0x0  }
0xc4: {  	[sflag:s0] =	ssyncadd.s32 @!p0 $0xFFFFF000  }
0xc5: {  	_ =	swait.ge @!p0 [sflag:s0], $0x1000  }
0xc6: {  	s1 =	sshra.s32 s23, $0x2;
	[sflag:s0] =	ssyncset.done @!p0 $0x0  }
0xc7: {  	s31 =	sadd.s32 $0x200, s1;
	[sflag:s0] =	ssyncadd.s32 @!p0 $0xFFFFF000  }
0xc8: {  	[tilespmem:s14], [sflag:$0x2] =	stream.indirect.gather [hbm4b:s3+s7], $0x20, s31, s7, $0xb8;
	[tilespmem:$0xB400] =	vst v63  }
0xc9: {  	s24 =	sadd.s32 $0x280, s1  }
0xca: {  	[tilespmem:s15], [sflag:$0x2] =	stream.indirect.gather [hbm4b:s3+s7], $0x20, s24, s7, $0xb8;
	[tilespmem:$0xB400] =	vst v63  }
0xcb: {  	s25 =	sadd.s32 $0x300, s1  }
0xcc: {  	[tilespmem:s16], [sflag:$0x2] =	stream.indirect.gather [hbm4b:s3+s7], $0x20, s25, s7, $0xb8;
	[tilespmem:$0xB400] =	vst v63  }
0xcd: {  	s26 =	sadd.s32 $0x380, s1  }
0xce: {  	[tilespmem:s17], [sflag:$0x2] =	stream.indirect.gather [hbm4b:s3+s7], $0x20, s26, s7, $0xb8;
	[tilespmem:$0xB400] =	vst v63  }
0xcf: {  	_ =	swait.ge [sflag:s18], $0x1000  }
0xd0: {  	[sflag:s18] =	ssyncset.done $0x0  }
0xd1: {  	[sflag:s18] =	ssyncadd.s32 $0xFFFFF000  }
0xd2: {  	_ =	swait.ge [sflag:s18], $0x1000  }
0xd3: {  	[sflag:s18] =	ssyncset.done $0x0  }
0xd4: {  	[sflag:s18] =	ssyncadd.s32 $0xFFFFF000  }
0xd5: {  	_ =	swait.ge [sflag:s18], $0x1000  }
0xd6: {  	[sflag:s18] =	ssyncset.done $0x0  }
0xd7: {  	[sflag:s18] =	ssyncadd.s32 $0xFFFFF000  }
0xd8: {  	_ =	swait.ge [sflag:s18], $0x1000  }
0xd9: {  	s28 =	rddreg [dreg:$0x2];
	[sflag:s18] =	ssyncset.done $0x0  }
0xda: {  	s29 =	rddreg [dreg:$0x5];
	[sflag:s18] =	ssyncadd.s32 $0xFFFFF000;
	s0 =	sadd.s32 s23, s28  }
0xdb: {  	[hbm4b:s0+s2] =	stream.linear.scatter [tilespmem:s8], [sflag:$0x3], $0x1000, $0x38;
	[tilespmem:$0xB400] =	vst v63  }
0xdc: {  	s24 =	rddreg [dreg:$0x4];
	s30 =	sadd.s32 s23, s29  }
0xdd: {  	[hbm4b:s30+s2] =	stream.linear.scatter [tilespmem:s9], [sflag:$0x3], $0x1000, $0x38;
	[tilespmem:$0xB400] =	vst v63  }
0xde: {  	s31 =	rddreg [dreg:$0x3];
	s25 =	sadd.s32 s23, s24  }
0xdf: {  	[hbm4b:s25+s2] =	stream.linear.scatter [tilespmem:s11], [sflag:$0x3], $0x1000, $0x38;
	[tilespmem:$0xB400] =	vst v63  }
0xe0: {  	s26 =	sadd.s32 s23, s31  }
0xe1: {  	[hbm4b:s26+s2] =	stream.linear.scatter [tilespmem:s13], [sflag:$0x3], $0x1000, $0x38;
	[tilespmem:$0xB400] =	vst v63  }
0xe2: {  	_ =	swait.ge [sflag:s19], $0x1000  }
0xe3: {  	[sflag:s19] =	ssyncset.done $0x0  }
0xe4: {  	[sflag:s19] =	ssyncadd.s32 $0xFFFFF000  }
0xe5: {  	_ =	swait.ge [sflag:s19], $0x1000  }
0xe6: {  	[sflag:s19] =	ssyncset.done $0x0  }
0xe7: {  	[sflag:s19] =	ssyncadd.s32 $0xFFFFF000  }
0xe8: {  	_ =	swait.ge [sflag:s19], $0x1000  }
0xe9: {  	[sflag:s19] =	ssyncset.done $0x0  }
0xea: {  	[sflag:s19] =	ssyncadd.s32 $0xFFFFF000  }
0xeb: {  	_ =	swait.ge [sflag:s19], $0x1000  }
0xec: {  	[sflag:s19] =	ssyncset.done $0x0  }
0xed: {  	[sflag:s19] =	ssyncadd.s32 $0xFFFFF000  }
0xee: {  	_ =	swait.ge [sflag:s20], $0x1000  }
0xef: {  	[sflag:s20] =	ssyncset.done $0x0  }
0xf0: {  	[sflag:s20] =	ssyncadd.s32 $0xFFFFF000  }
0xf1: {  	_ =	swait.ge [sflag:s20], $0x1000  }
0xf2: {  	[sflag:s20] =	ssyncset.done $0x0  }
0xf3: {  	[sflag:s20] =	ssyncadd.s32 $0xFFFFF000  }
0xf4: {  	_ =	swait.ge [sflag:s20], $0x1000  }
0xf5: {  	[sflag:s20] =	ssyncset.done $0x0  }
0xf6: {  	p0 =	seq.s32 s23, $0xC000;
	[sflag:s20] =	ssyncadd.s32 $0xFFFFF000  }
0xf7: {  	s1 =	sshra.s32 @!p0 s23, $0x2;
	_ =	swait.ge [sflag:s20], $0x1000  }
0xf8: {  	s24 =	sadd.s32 @!p0 $0x400, s1;
	[sflag:s20] =	ssyncset.done $0x0  }
0xf9: {  	s0 =	simm.s32 @!p0 $0x3400;
	s25 =	simm.s32 @!p0 $0x80;
	[sflag:s20] =	ssyncadd.s32 $0xFFFFF000  }
0xfa: {  	[tilespmem:s0], [sflag:$0x1] =	stream.indirect.gather @!p0 [hbm4b:s3+s25], $0x20, s24, s25, $0xb8;
	[tilespmem:$0xB400] =	vst v63  }
0xfb: {  	s0 =	sadd.s32 @!p0 $0x480, s1;
	s24 =	simm.s32 @!p0 $0x4400  }
0xfc: {  	[tilespmem:s24], [sflag:$0x1] =	stream.indirect.gather @!p0 [hbm4b:s3+s25], $0x20, s0, s25, $0xb8;
	[tilespmem:$0xB400] =	vst v63  }
0xfd: {  	s26 =	simm.s32 @!p0 $0x5400;
	s24 =	sadd.s32 @!p0 $0x500, s1  }
0xfe: {  	[tilespmem:s26], [sflag:$0x1] =	stream.indirect.gather @!p0 [hbm4b:s3+s25], $0x20, s24, s25, $0xb8;
	[tilespmem:$0xB400] =	vst v63  }
0xff: {  	s28 =	rddreg [dreg:$0x6];
	s1 =	sadd.s32 @!p0 $0x580, s1;
	s26 =	simm.s32 @!p0 $0x6400  }
0x100: {  	[tilespmem:s26], [sflag:$0x1] =	stream.indirect.gather @!p0 [hbm4b:s3+s25], $0x20, s1, s25, $0xb8;
	[tilespmem:$0xB400] =	vst v63  }
0x101: {  	s29 =	rddreg [dreg:$0x8];
	s0 =	sadd.s32 s23, s28  }
0x102: {  	[hbm4b:s0+s2] =	stream.linear.scatter [tilespmem:s14], [sflag:$0x4], $0x1000, $0x38;
	[tilespmem:$0xB400] =	vst v63  }
0x103: {  	s30 =	rddreg [dreg:$0x7];
	s24 =	sadd.s32 s23, s29  }
0x104: {  	[hbm4b:s24+s2] =	stream.linear.scatter [tilespmem:s15], [sflag:$0x4], $0x1000, $0x38;
	[tilespmem:$0xB400] =	vst v63  }
0x105: {  	s31 =	rddreg [dreg:$0x9];
	s1 =	sadd.s32 s23, s30  }
0x106: {  	[hbm4b:s1+s2] =	stream.linear.scatter [tilespmem:s16], [sflag:$0x4], $0x1000, $0x38;
	[tilespmem:$0xB400] =	vst v63  }
0x107: {  	s0 =	sadd.s32 s23, s31  }
0x108: {  	[hbm4b:s0+s2] =	stream.linear.scatter [tilespmem:s17], [sflag:$0x4], $0x1000, $0x38;
	[tilespmem:$0xB400] =	vst v63  }
0x109: {  	_ =	swait.ge [sflag:s21], $0x1000  }
0x10a: {  	[sflag:s21] =	ssyncset.done $0x0  }
0x10b: {  	[sflag:s21] =	ssyncadd.s32 $0xFFFFF000  }
0x10c: {  	_ =	swait.ge [sflag:s21], $0x1000  }
0x10d: {  	[sflag:s21] =	ssyncset.done $0x0  }
0x10e: {  	s22 =	sadd.s32 $0x1, s22;
	[sflag:s21] =	ssyncadd.s32 $0xFFFFF000  }
0x10f: {  	p0 =	sne.s32 s22, s5;
	_ =	swait.ge [sflag:s21], $0x1000  }
.Ltmp1:
0x110: {  	[sflag:s21] =	ssyncset.done $0x0;
	(pc) =	sbr.rel @p0 .LBB2_1-.Ltmp1, $4  }
0x111: {  	[sflag:s21] =	ssyncadd.s32 $0xFFFFF000  }
0x112: {  	_ =	swait.ge [sflag:s21], $0x1000  }
0x113: {  	[sflag:s21] =	ssyncset.done $0x0  }
0x114: {  	[sflag:s21] =	ssyncadd.s32 $0xFFFFF000  }
0x115: {  	_ =	sfence.sel $0x180000  }
0x116: {  	[bflag:$0x0] =	sbarrier.arrive $0xFFFF  }
0x117: {  	_ =	strace $0x90000047  }
0x118: {  	s0 =	stileid.u32;
	[bflag:$0x2] =	sbarrier.arrive $0xFFFF  }
0x119: {  	p0 =	sne.s32 s0, $0x0;
	s0 =	rddreg [dreg:$0x1]  }
0x11a: {  	s0 =	sadd.s32 @!p0 $0x100000, s0  }
0x11b: {  	[sflag:s0] =	ssyncadd.tile.s32 @!p0 $0x1;
	_ =	shalt  }
.Lfunc_end2:
_tile_overlayer_lowered:
.L_overlay_start_2:
0x11c: {  	(tag) =	ssettag $0x2  }
0x11d: {  	s0 =	rddreg [dreg:$0x0];
	s2 =	stileid.u32  }
0x11e: {  	s1 =	rddreg [dreg:$0x1];
	p0 =	sne.s32 s2, $0x0  }
0x11f: {  	s3 =	rddreg [dreg:$0x2];
	[bflag:$0x3] =	sbarrier.arrive $0xFFFF;
	s2 =	simm.s32 @!p0 $0x1C05  }
0x120: {  	[timem:s3], [sflag:s2] =	dma.local @!p0 [hbm:s0], s1  }
0x121: {  	s0 =	simm.s32 @!p0 $0x5  }
0x122: {  	_ =	swait.ge @!p0 [sflag:s0], s1  }
0x123: {  	s1 =	ssub.s32 @!p0 $0x0, s1;
	[sflag:s0] =	ssyncset.done @!p0 $0x0  }
0x124: {  	[sflag:s0] =	ssyncadd.s32 @!p0 s1  }
0x125: {  	[bflag:$0x3] =	sbarrier.arrive $0xFFFF  }
0x126: {  	_ =	shalt  }

</sc_bundles>
